<compile_context>
chip_gen: v7x
topology: tpu7x:2x2x1
jax: 0.10.2.dev20260603
libtpu: 0.0.44.dev20260713+nightly
codegen_flags: <defaults>
</compile_context>

<pallas_src>
import functools

import jax
import jax.numpy as jnp
from jax import lax
from jax.experimental import pallas as pl
from jax.experimental.pallas import tpu as pltpu
from jax.experimental.pallas import tpu_sc as plsc

N_CORES = 2
N_SUBCORES = 16
NW = N_CORES * N_SUBCORES
CHUNK = 80
N_GRAPHS = 64


def _sc_segment_sums(h_node, idx3, n_seg):
    n, d = h_node.shape
    n_chunks = idx3.shape[1]
    rows_per_w = n_chunks * CHUNK
    assert rows_per_w * NW == n
    seg_per_sub = n_seg // N_SUBCORES

    mesh = plsc.VectorSubcoreMesh(
        core_axis_name="c", subcore_axis_name="s",
        num_cores=N_CORES, num_subcores=N_SUBCORES)

    @functools.partial(
        pl.kernel,
        out_type=[
            jax.ShapeDtypeStruct((N_CORES, n_seg, d), jnp.float32),
            jax.ShapeDtypeStruct((N_CORES * n_seg,), jnp.float32),
        ],
        mesh=mesh,
        scratch_types=[
            pltpu.VMEM((n_chunks, CHUNK), jnp.int32),
            [pltpu.VMEM((CHUNK, d), jnp.float32) for _ in range(5)],
            pltpu.VMEM((CHUNK, d), jnp.float32),
            pltpu.VMEM((128,), jnp.float32),
            pltpu.VMEM((256,), jnp.float32),
            pltpu.VMEM_SHARED((n_seg, d), jnp.float32),
            pltpu.VMEM_SHARED((n_seg,), jnp.float32),
            [pltpu.SemaphoreType.DMA for _ in range(5)],
            [pltpu.SemaphoreType.DMA for _ in range(5)],
            pltpu.SemaphoreType.DMA,
        ],
    )
    def seg_kernel(h_hbm, idx_hbm, psum_hbm, pcnt_hbm,
                   idx_v, bufs, zrow_v, ones_v, czero_v, acc_sh, cnt_sh,
                   gsems, ssems, isem):
        cid = lax.axis_index("c")
        sid = lax.axis_index("s")
        wid = cid * N_SUBCORES + sid
        row_base = wid * rows_per_w
        last = n_chunks - 1

        def gather(j, b):
            pltpu.async_copy(
                h_hbm.at[pl.ds(row_base + j * CHUNK, CHUNK)], bufs[b], gsems[b])

        def gather_wait(b):
            pltpu.make_async_copy(h_hbm.at[pl.ds(0, CHUNK)], bufs[b],
                                  gsems[b]).wait()

        for b in range(5):
            gather(b, b)
        idx_load = pltpu.async_copy(idx_hbm.at[wid], idx_v, isem)

        one16 = jnp.ones((16,), jnp.float32)
        zero16 = jnp.zeros((16,), jnp.float32)
        for k in range(8):
            ones_v[pl.ds(k * 16, 16)] = one16
        for k in range(16):
            czero_v[pl.ds(k * 16, 16)] = zero16

        def zero_row(i, carry):
            for k in range(d // 16):
                zrow_v[i, pl.ds(k * 16, 16)] = zero16
            return carry
        lax.fori_loop(0, CHUNK, zero_row, 0)

        base_seg = sid * seg_per_sub
        done = 0
        while done < seg_per_sub:
            step = min(CHUNK, seg_per_sub - done)
            pltpu.sync_copy(zrow_v.at[pl.ds(0, step)],
                            acc_sh.at[pl.ds(base_seg + done, step)])
            done += step
        pltpu.sync_copy(czero_v.at[pl.ds(0, seg_per_sub)],
                        cnt_sh.at[pl.ds(base_seg, seg_per_sub)])
        plsc.subcore_barrier()
        idx_load.wait()

        ones_c = ones_v.at[pl.ds(0, CHUNK)]

        def scat(j, b):
            a = pltpu.async_copy(bufs[b], acc_sh.at[idx_v.at[j]], ssems[b],
                                 add=True)
            c = pltpu.async_copy(ones_c, cnt_sh.at[idx_v.at[j]], ssems[b],
                                 add=True)
            return a, c

        def body(i, carry):
            j0 = 5 * i
            pend = {}
            for b in range(5):
                if b >= 3:
                    d0 = b - 3
                    for w in pend[d0]:
                        w.wait()
                    gather(jnp.minimum(j0 + d0 + 5, last), d0)
                gather_wait(b)
                pend[b] = scat(j0 + b, b)
            for b in range(2, 5):
                for w in pend[b]:
                    w.wait()
                gather(jnp.minimum(j0 + b + 5, last), b)
            return carry
        lax.fori_loop(0, n_chunks // 5, body, 0)

        for b in range(5):
            gather_wait(b)
        plsc.subcore_barrier()

        pltpu.sync_copy(acc_sh.at[pl.ds(base_seg, seg_per_sub)],
                        psum_hbm.at[cid, pl.ds(base_seg, seg_per_sub)])
        pltpu.sync_copy(cnt_sh.at[pl.ds(base_seg, seg_per_sub)],
                        czero_v.at[pl.ds(0, seg_per_sub)])
        pltpu.sync_copy(czero_v.at[pl.ds(0, seg_per_sub)],
                        pcnt_hbm.at[pl.ds(cid * n_seg + base_seg, seg_per_sub)])

    return seg_kernel(h_node, idx3)


def _tc_dense(psum, pcnt, gid_col, gid_row,
              W0, b0, Ws0, bs0, W1, b1, Ws1, bs1, Wf1, bf1, Wf2, bf2):
    n_seg = psum.shape[1]
    n_tasks = Wf2.shape[1]

    def body(psum_ref, pcnt_ref, gc_ref, gr_ref,
             w0_ref, b0_ref, ws0_ref, bs0_ref,
             w1_ref, b1_ref, ws1_ref, bs1_ref,
             wf1_ref, bf1_ref, wf2_ref, bf2_ref, out_ref):
        f32 = jnp.float32
        sums = psum_ref[0] + psum_ref[1]
        cnt = pcnt_ref[0] + pcnt_ref[1]
        h = sums / jnp.maximum(cnt, 1.0)

        gc = gc_ref[...]
        gr = gr_ref[...]
        onehot = (gc == lax.broadcasted_iota(jnp.int32, (n_seg, N_GRAPHS), 1)
                  ).astype(f32)
        onehot_t = (lax.broadcasted_iota(jnp.int32, (N_GRAPHS, n_seg), 0) == gr
                    ).astype(f32)
        gcnt = jnp.dot(onehot_t, jnp.ones((n_seg, 1), f32),
                       preferred_element_type=f32)
        inv_gcnt = 1.0 / jnp.maximum(gcnt, 1.0)

        def ds_layer(h, w_ref, b_ref, ws_ref, bs_ref):
            x1 = jnp.dot(h, w_ref[...], preferred_element_type=f32) + b_ref[...]
            pooled = jnp.dot(onehot_t, h, preferred_element_type=f32) * inv_gcnt
            x2 = jnp.dot(pooled, ws_ref[...], preferred_element_type=f32) + bs_ref[...]
            x2b = jnp.dot(onehot, x2, preferred_element_type=f32)
            v = x1 + x2b
            return jnp.where(v > 0, v, jnp.exp(jnp.minimum(v, 0.0)) - 1.0)

        h = ds_layer(h, w0_ref, b0_ref, ws0_ref, bs0_ref)
        h = ds_layer(h, w1_ref, b1_ref, ws1_ref, bs1_ref)

        hg = jnp.dot(onehot_t, h, preferred_element_type=f32) * inv_gcnt
        t = jnp.maximum(jnp.dot(hg, wf1_ref[...], preferred_element_type=f32)
                        + bf1_ref[...], 0.0)
        out_ref[...] = (jnp.dot(t, wf2_ref[...], preferred_element_type=f32)
                        + bf2_ref[...])

    return pl.pallas_call(
        body,
        out_shape=jax.ShapeDtypeStruct((N_GRAPHS, n_tasks), jnp.float32),
    )(psum, pcnt, gid_col, gid_row,
      W0, b0, Ws0, bs0, W1, b1, Ws1, bs1, Wf1, bf1, Wf2, bf2)


def kernel(h_node, subgraph_batch, subgraph_idx_batch,
           W0, b0, Ws0, bs0, W1, b1, Ws1, bs1, Wf1, bf1, Wf2, bf2):
    n = h_node.shape[0]
    n_seg = subgraph_idx_batch.shape[0]
    n_chunks = n // (NW * CHUNK)
    idx3 = subgraph_batch.reshape(NW, n_chunks, CHUNK)

    psum, pcnt = _sc_segment_sums(h_node, idx3, n_seg)

    return _tc_dense(
        psum, pcnt.reshape(N_CORES, n_seg, 1),
        subgraph_idx_batch.reshape(n_seg, 1),
        subgraph_idx_batch.reshape(1, n_seg),
        W0, b0.reshape(1, -1), Ws0, bs0.reshape(1, -1),
        W1, b1.reshape(1, -1), Ws1, bs1.reshape(1, -1),
        Wf1, bf1.reshape(1, -1), Wf2, bf2.reshape(1, -1))

# --- scband reference (transcript-rebuilt; emitter-appended) ---
"""Pipeline reference for scband-dsnetwork-59004260712466 (READ-ONLY COPY).

The authoritative reference and input builder live on the scoring server;
editing this copy changes nothing except your own understanding.
"""

import jax, jax.numpy as jnp
import numpy as np

N_NODES = 320000
D = 128
N_SUB = 3200
N_GRAPH = 64
NUM_TASKS = 10


def scatter_mean(src, idx, num_segments):
    s = jax.ops.segment_sum(src, idx, num_segments=num_segments)
    ones = jnp.ones((src.shape[0],), dtype=src.dtype)
    c = jax.ops.segment_sum(ones, idx, num_segments=num_segments)
    return s / jnp.maximum(c, 1.0)[:, None]


def setup_inputs(seed: int = 0) -> dict:
    key = jax.random.key(seed)
    ks = jax.random.split(key, 12)
    h_node = jax.random.normal(ks[0], (N_NODES, D), dtype=jnp.float32)
    subgraph_batch = jnp.sort(jax.random.randint(ks[1], (N_NODES,), 0, N_SUB, dtype=jnp.int32))
    subgraph_idx_batch = jnp.sort(jax.random.randint(ks[2], (N_SUB,), 0, N_GRAPH, dtype=jnp.int32))
    W0 = jax.random.normal(ks[3], (D, 128), dtype=jnp.float32) * 0.05
    b0 = jnp.zeros((128,), dtype=jnp.float32)
    Ws0 = jax.random.normal(ks[4], (D, 128), dtype=jnp.float32) * 0.05
    bs0 = jnp.zeros((128,), dtype=jnp.float32)
    W1 = jax.random.normal(ks[5], (128, 128), dtype=jnp.float32) * 0.05
    b1 = jnp.zeros((128,), dtype=jnp.float32)
    Ws1 = jax.random.normal(ks[6], (128, 128), dtype=jnp.float32) * 0.05
    bs1 = jnp.zeros((128,), dtype=jnp.float32)
    Wf1 = jax.random.normal(ks[7], (128, 256), dtype=jnp.float32) * 0.05
    bf1 = jnp.zeros((256,), dtype=jnp.float32)
    Wf2 = jax.random.normal(ks[8], (256, NUM_TASKS), dtype=jnp.float32) * 0.05
    bf2 = jnp.zeros((NUM_TASKS,), dtype=jnp.float32)
    return {"h_node": h_node, "subgraph_batch": subgraph_batch, "subgraph_idx_batch": subgraph_idx_batch,
            "W0": W0, "b0": b0, "Ws0": Ws0, "bs0": bs0,
            "W1": W1, "b1": b1, "Ws1": Ws1, "bs1": bs1,
            "Wf1": Wf1, "bf1": bf1, "Wf2": Wf2, "bf2": bf2}


def reference(h_node, subgraph_batch, subgraph_idx_batch,
              W0, b0, Ws0, bs0, W1, b1, Ws1, bs1, Wf1, bf1, Wf2, bf2):
    # subgraph_pool: mean over nodes -> per-subgraph representation
    h_subgraph = scatter_mean(h_node, subgraph_batch, N_SUB)
    # non-invariant DS layers
    for (W, b, Ws, bs) in ((W0, b0, Ws0, bs0), (W1, b1, Ws1, bs1)):
        x1 = h_subgraph @ W + b
        pooled = scatter_mean(h_subgraph, subgraph_idx_batch, N_GRAPH)
        x2 = pooled @ Ws + bs
        h_subgraph = jax.nn.elu(x1 + x2[subgraph_idx_batch])
    h_graph = scatter_mean(h_subgraph, subgraph_idx_batch, N_GRAPH)
    # final layers: Linear -> ReLU -> Linear
    h = jax.nn.relu(h_graph @ Wf1 + bf1)
    return h @ Wf2 + bf2

if __name__ == "__main__":
    import jax
    _d = setup_inputs()
    print(jax.jit(kernel)(*tuple(_d.values())))

</pallas_src>

<mosaic_0001>
#map = affine_map<(d0, d1) -> (0, 0)>
#map1 = affine_map<(d0, d1) -> (0, 0, 0)>
#map2 = affine_map<(d0, d1) -> (0)>
module attributes {stable_mosaic.version = 14 : i64} {
  func.func @seg_kernel(%arg0: i32, %arg1: i32, %arg2: memref<320000x128xf32, #tpu.memory_space<hbm>>, %arg3: memref<32x125x80xi32, #tpu.memory_space<hbm>>, %arg4: memref<2x3200x128xf32, #tpu.memory_space<hbm>>, %arg5: memref<6400xf32, #tpu.memory_space<hbm>>, %arg6: memref<125x80xi32, #tpu.memory_space<vmem>>, %arg7: memref<80x128xf32, #tpu.memory_space<vmem>>, %arg8: memref<80x128xf32, #tpu.memory_space<vmem>>, %arg9: memref<80x128xf32, #tpu.memory_space<vmem>>, %arg10: memref<80x128xf32, #tpu.memory_space<vmem>>, %arg11: memref<80x128xf32, #tpu.memory_space<vmem>>, %arg12: memref<80x128xf32, #tpu.memory_space<vmem>>, %arg13: memref<128xf32, #tpu.memory_space<vmem>>, %arg14: memref<256xf32, #tpu.memory_space<vmem>>, %arg15: memref<3200x128xf32, #tpu.memory_space<vmem_shared>>, %arg16: memref<3200xf32, #tpu.memory_space<vmem_shared>>, %arg17: memref<!tpu.dma_semaphore, #tpu.memory_space<semaphore_mem>>, %arg18: memref<!tpu.dma_semaphore, #tpu.memory_space<semaphore_mem>>, %arg19: memref<!tpu.dma_semaphore, #tpu.memory_space<semaphore_mem>>, %arg20: memref<!tpu.dma_semaphore, #tpu.memory_space<semaphore_mem>>, %arg21: memref<!tpu.dma_semaphore, #tpu.memory_space<semaphore_mem>>, %arg22: memref<!tpu.dma_semaphore, #tpu.memory_space<semaphore_mem>>, %arg23: memref<!tpu.dma_semaphore, #tpu.memory_space<semaphore_mem>>, %arg24: memref<!tpu.dma_semaphore, #tpu.memory_space<semaphore_mem>>, %arg25: memref<!tpu.dma_semaphore, #tpu.memory_space<semaphore_mem>>, %arg26: memref<!tpu.dma_semaphore, #tpu.memory_space<semaphore_mem>>, %arg27: memref<!tpu.dma_semaphore, #tpu.memory_space<semaphore_mem>>) attributes {dimension_semantics = [#tpu.dimension_semantics<core_parallel>, #tpu.dimension_semantics<subcore_parallel>], iteration_bounds = array<i64: 2, 16>, scalar_prefetch = 0 : i64, scratch_operands = 22 : i64, tpu.core_type = #tpu.core_type<sc_vector_subcore>, window_params = [{transform_indices = #map}, {transform_indices = #map1}, {transform_indices = #map1}, {transform_indices = #map2}]} {
    %mul3A = arith.constant 16 : i32
    %mul3A_0 = arith.muli %arg0, %mul3A : i32
    %add3A = arith.addi %mul3A_0, %arg1 : i32
    %mul3A_1 = arith.constant 10000 : i32
    %mul3A_2 = arith.muli %add3A, %mul3A_1 : i32
    %add3A_3 = arith.constant 0 : i32
    %add3A_4 = arith.addi %mul3A_2, %add3A_3 : i32
    %dma_start3A = arith.constant 0 : i32
    %dma_start3A_5 = tpu.memref_slice %arg2[%add3A_4, %dma_start3A] : memref<320000x128xf32, #tpu.memory_space<hbm>> -> memref<80x128xf32, #tpu.memory_space<hbm>>
    %dma_start3A_6 = arith.constant 0 : i32
    %dma_start3A_7 = tpu.memref_slice %arg2[%add3A_4, %dma_start3A_6] : memref<320000x128xf32, #tpu.memory_space<hbm>> -> memref<80x128xf32, #tpu.memory_space<hbm>>
    tpu.enqueue_dma source(%dma_start3A_7 : memref<80x128xf32, #tpu.memory_space<hbm>>) target(%arg7 : memref<80x128xf32, #tpu.memory_space<vmem>>) target_semaphore(%arg17 : memref<!tpu.dma_semaphore, #tpu.memory_space<semaphore_mem>>)
    %add3A_8 = arith.constant 80 : i32
    %add3A_9 = arith.addi %mul3A_2, %add3A_8 : i32
    %dma_start3A_10 = arith.constant 0 : i32
    %dma_start3A_11 = tpu.memref_slice %arg2[%add3A_9, %dma_start3A_10] : memref<320000x128xf32, #tpu.memory_space<hbm>> -> memref<80x128xf32, #tpu.memory_space<hbm>>
    %dma_start3A_12 = arith.constant 0 : i32
    %dma_start3A_13 = tpu.memref_slice %arg2[%add3A_9, %dma_start3A_12] : memref<320000x128xf32, #tpu.memory_space<hbm>> -> memref<80x128xf32, #tpu.memory_space<hbm>>
    tpu.enqueue_dma source(%dma_start3A_13 : memref<80x128xf32, #tpu.memory_space<hbm>>) target(%arg8 : memref<80x128xf32, #tpu.memory_space<vmem>>) target_semaphore(%arg18 : memref<!tpu.dma_semaphore, #tpu.memory_space<semaphore_mem>>)
    %add3A_14 = arith.constant 160 : i32
    %add3A_15 = arith.addi %mul3A_2, %add3A_14 : i32
    %dma_start3A_16 = arith.constant 0 : i32
    %dma_start3A_17 = tpu.memref_slice %arg2[%add3A_15, %dma_start3A_16] : memref<320000x128xf32, #tpu.memory_space<hbm>> -> memref<80x128xf32, #tpu.memory_space<hbm>>
    %dma_start3A_18 = arith.constant 0 : i32
    %dma_start3A_19 = tpu.memref_slice %arg2[%add3A_15, %dma_start3A_18] : memref<320000x128xf32, #tpu.memory_space<hbm>> -> memref<80x128xf32, #tpu.memory_space<hbm>>
    tpu.enqueue_dma source(%dma_start3A_19 : memref<80x128xf32, #tpu.memory_space<hbm>>) target(%arg9 : memref<80x128xf32, #tpu.memory_space<vmem>>) target_semaphore(%arg19 : memref<!tpu.dma_semaphore, #tpu.memory_space<semaphore_mem>>)
    %add3A_20 = arith.constant 240 : i32
    %add3A_21 = arith.addi %mul3A_2, %add3A_20 : i32
    %dma_start3A_22 = arith.constant 0 : i32
    %dma_start3A_23 = tpu.memref_slice %arg2[%add3A_21, %dma_start3A_22] : memref<320000x128xf32, #tpu.memory_space<hbm>> -> memref<80x128xf32, #tpu.memory_space<hbm>>
    %dma_start3A_24 = arith.constant 0 : i32
    %dma_start3A_25 = tpu.memref_slice %arg2[%add3A_21, %dma_start3A_24] : memref<320000x128xf32, #tpu.memory_space<hbm>> -> memref<80x128xf32, #tpu.memory_space<hbm>>
    tpu.enqueue_dma source(%dma_start3A_25 : memref<80x128xf32, #tpu.memory_space<hbm>>) target(%arg10 : memref<80x128xf32, #tpu.memory_space<vmem>>) target_semaphore(%arg20 : memref<!tpu.dma_semaphore, #tpu.memory_space<semaphore_mem>>)
    %add3A_26 = arith.constant 320 : i32
    %add3A_27 = arith.addi %mul3A_2, %add3A_26 : i32
    %dma_start3A_28 = arith.constant 0 : i32
    %dma_start3A_29 = tpu.memref_slice %arg2[%add3A_27, %dma_start3A_28] : memref<320000x128xf32, #tpu.memory_space<hbm>> -> memref<80x128xf32, #tpu.memory_space<hbm>>
    %dma_start3A_30 = arith.constant 0 : i32
    %dma_start3A_31 = tpu.memref_slice %arg2[%add3A_27, %dma_start3A_30] : memref<320000x128xf32, #tpu.memory_space<hbm>> -> memref<80x128xf32, #tpu.memory_space<hbm>>
    tpu.enqueue_dma source(%dma_start3A_31 : memref<80x128xf32, #tpu.memory_space<hbm>>) target(%arg11 : memref<80x128xf32, #tpu.memory_space<vmem>>) target_semaphore(%arg21 : memref<!tpu.dma_semaphore, #tpu.memory_space<semaphore_mem>>)
    %dma_start3A_32 = arith.constant 0 : i32
    %dma_start3A_33 = arith.constant 0 : i32
    %dma_start3A_34 = tpu.memref_slice %arg3[%add3A, %dma_start3A_32, %dma_start3A_33] : memref<32x125x80xi32, #tpu.memory_space<hbm>> -> memref<1x125x80xi32, #tpu.memory_space<hbm>>
    %dma_start3A_35 = tpu.memref_squeeze %dma_start3A_34 : memref<1x125x80xi32, #tpu.memory_space<hbm>> -> memref<125x80xi32, #tpu.memory_space<hbm>>
    %dma_start3A_36 = arith.constant 0 : i32
    %dma_start3A_37 = arith.constant 0 : i32
    %dma_start3A_38 = tpu.memref_slice %arg3[%add3A, %dma_start3A_36, %dma_start3A_37] : memref<32x125x80xi32, #tpu.memory_space<hbm>> -> memref<1x125x80xi32, #tpu.memory_space<hbm>>
    %dma_start3A_39 = tpu.memref_squeeze %dma_start3A_38 : memref<1x125x80xi32, #tpu.memory_space<hbm>> -> memref<125x80xi32, #tpu.memory_space<hbm>>
    tpu.enqueue_dma source(%dma_start3A_39 : memref<125x80xi32, #tpu.memory_space<hbm>>) target(%arg6 : memref<125x80xi32, #tpu.memory_space<vmem>>) target_semaphore(%arg27 : memref<!tpu.dma_semaphore, #tpu.memory_space<semaphore_mem>>)
    %broadcast_in_dim3A = arith.constant 1.000000e+00 : f32
    %broadcast_in_dim3A_40 = vector.broadcast %broadcast_in_dim3A : f32 to vector<16xf32>
    %broadcast_in_dim3A_41 = arith.constant 0.000000e+00 : f32
    %broadcast_in_dim3A_42 = vector.broadcast %broadcast_in_dim3A_41 : f32 to vector<16xf32>
    %swap3A = arith.constant 0 : index
    %swap3A_43 = tpu.vector_load %arg13[%swap3A] {strides = array<i32>} : memref<128xf32, #tpu.memory_space<vmem>>, vector<16xf32>,
    %swap3A_44 = vector.shape_cast %swap3A_43 : vector<16xf32> to vector<16xf32>
    %swap3A_45 = vector.shape_cast %broadcast_in_dim3A_40 : vector<16xf32> to vector<16xf32>
    tpu.vector_store %arg13[%swap3A], %swap3A_45 {strides = array<i32>} : memref<128xf32, #tpu.memory_space<vmem>>, vector<16xf32>,
    %swap3A_46 = arith.constant 16 : index
    %swap3A_47 = tpu.vector_load %arg13[%swap3A_46] {strides = array<i32>} : memref<128xf32, #tpu.memory_space<vmem>>, vector<16xf32>,
    %swap3A_48 = vector.shape_cast %swap3A_47 : vector<16xf32> to vector<16xf32>
    %swap3A_49 = vector.shape_cast %broadcast_in_dim3A_40 : vector<16xf32> to vector<16xf32>
    tpu.vector_store %arg13[%swap3A_46], %swap3A_49 {strides = array<i32>} : memref<128xf32, #tpu.memory_space<vmem>>, vector<16xf32>,
    %swap3A_50 = arith.constant 32 : index
    %swap3A_51 = tpu.vector_load %arg13[%swap3A_50] {strides = array<i32>} : memref<128xf32, #tpu.memory_space<vmem>>, vector<16xf32>,
    %swap3A_52 = vector.shape_cast %swap3A_51 : vector<16xf32> to vector<16xf32>
    %swap3A_53 = vector.shape_cast %broadcast_in_dim3A_40 : vector<16xf32> to vector<16xf32>
    tpu.vector_store %arg13[%swap3A_50], %swap3A_53 {strides = array<i32>} : memref<128xf32, #tpu.memory_space<vmem>>, vector<16xf32>,
    %swap3A_54 = arith.constant 48 : index
    %swap3A_55 = tpu.vector_load %arg13[%swap3A_54] {strides = array<i32>} : memref<128xf32, #tpu.memory_space<vmem>>, vector<16xf32>,
    %swap3A_56 = vector.shape_cast %swap3A_55 : vector<16xf32> to vector<16xf32>
    %swap3A_57 = vector.shape_cast %broadcast_in_dim3A_40 : vector<16xf32> to vector<16xf32>
    tpu.vector_store %arg13[%swap3A_54], %swap3A_57 {strides = array<i32>} : memref<128xf32, #tpu.memory_space<vmem>>, vector<16xf32>,
    %swap3A_58 = arith.constant 64 : index
    %swap3A_59 = tpu.vector_load %arg13[%swap3A_58] {strides = array<i32>} : memref<128xf32, #tpu.memory_space<vmem>>, vector<16xf32>,
    %swap3A_60 = vector.shape_cast %swap3A_59 : vector<16xf32> to vector<16xf32>
    %swap3A_61 = vector.shape_cast %broadcast_in_dim3A_40 : vector<16xf32> to vector<16xf32>
    tpu.vector_store %arg13[%swap3A_58], %swap3A_61 {strides = array<i32>} : memref<128xf32, #tpu.memory_space<vmem>>, vector<16xf32>,
    %swap3A_62 = arith.constant 80 : index
    %swap3A_63 = tpu.vector_load %arg13[%swap3A_62] {strides = array<i32>} : memref<128xf32, #tpu.memory_space<vmem>>, vector<16xf32>,
    %swap3A_64 = vector.shape_cast %swap3A_63 : vector<16xf32> to vector<16xf32>
    %swap3A_65 = vector.shape_cast %broadcast_in_dim3A_40 : vector<16xf32> to vector<16xf32>
    tpu.vector_store %arg13[%swap3A_62], %swap3A_65 {strides = array<i32>} : memref<128xf32, #tpu.memory_space<vmem>>, vector<16xf32>,
    %swap3A_66 = arith.constant 96 : index
    %swap3A_67 = tpu.vector_load %arg13[%swap3A_66] {strides = array<i32>} : memref<128xf32, #tpu.memory_space<vmem>>, vector<16xf32>,
    %swap3A_68 = vector.shape_cast %swap3A_67 : vector<16xf32> to vector<16xf32>
    %swap3A_69 = vector.shape_cast %broadcast_in_dim3A_40 : vector<16xf32> to vector<16xf32>
    tpu.vector_store %arg13[%swap3A_66], %swap3A_69 {strides = array<i32>} : memref<128xf32, #tpu.memory_space<vmem>>, vector<16xf32>,
    %swap3A_70 = arith.constant 112 : index
    %swap3A_71 = tpu.vector_load %arg13[%swap3A_70] {strides = array<i32>} : memref<128xf32, #tpu.memory_space<vmem>>, vector<16xf32>,
    %swap3A_72 = vector.shape_cast %swap3A_71 : vector<16xf32> to vector<16xf32>
    %swap3A_73 = vector.shape_cast %broadcast_in_dim3A_40 : vector<16xf32> to vector<16xf32>
    tpu.vector_store %arg13[%swap3A_70], %swap3A_73 {strides = array<i32>} : memref<128xf32, #tpu.memory_space<vmem>>, vector<16xf32>,
    %swap3A_74 = arith.constant 0 : index
    %swap3A_75 = tpu.vector_load %arg14[%swap3A_74] {strides = array<i32>} : memref<256xf32, #tpu.memory_space<vmem>>, vector<16xf32>,
    %swap3A_76 = vector.shape_cast %swap3A_75 : vector<16xf32> to vector<16xf32>
    %swap3A_77 = vector.shape_cast %broadcast_in_dim3A_42 : vector<16xf32> to vector<16xf32>
    tpu.vector_store %arg14[%swap3A_74], %swap3A_77 {strides = array<i32>} : memref<256xf32, #tpu.memory_space<vmem>>, vector<16xf32>,
    %swap3A_78 = arith.constant 16 : index
    %swap3A_79 = tpu.vector_load %arg14[%swap3A_78] {strides = array<i32>} : memref<256xf32, #tpu.memory_space<vmem>>, vector<16xf32>,
    %swap3A_80 = vector.shape_cast %swap3A_79 : vector<16xf32> to vector<16xf32>
    %swap3A_81 = vector.shape_cast %broadcast_in_dim3A_42 : vector<16xf32> to vector<16xf32>
    tpu.vector_store %arg14[%swap3A_78], %swap3A_81 {strides = array<i32>} : memref<256xf32, #tpu.memory_space<vmem>>, vector<16xf32>,
    %swap3A_82 = arith.constant 32 : index
    %swap3A_83 = tpu.vector_load %arg14[%swap3A_82] {strides = array<i32>} : memref<256xf32, #tpu.memory_space<vmem>>, vector<16xf32>,
    %swap3A_84 = vector.shape_cast %swap3A_83 : vector<16xf32> to vector<16xf32>
    %swap3A_85 = vector.shape_cast %broadcast_in_dim3A_42 : vector<16xf32> to vector<16xf32>
    tpu.vector_store %arg14[%swap3A_82], %swap3A_85 {strides = array<i32>} : memref<256xf32, #tpu.memory_space<vmem>>, vector<16xf32>,
    %swap3A_86 = arith.constant 48 : index
    %swap3A_87 = tpu.vector_load %arg14[%swap3A_86] {strides = array<i32>} : memref<256xf32, #tpu.memory_space<vmem>>, vector<16xf32>,
    %swap3A_88 = vector.shape_cast %swap3A_87 : vector<16xf32> to vector<16xf32>
    %swap3A_89 = vector.shape_cast %broadcast_in_dim3A_42 : vector<16xf32> to vector<16xf32>
    tpu.vector_store %arg14[%swap3A_86], %swap3A_89 {strides = array<i32>} : memref<256xf32, #tpu.memory_space<vmem>>, vector<16xf32>,
    %swap3A_90 = arith.constant 64 : index
    %swap3A_91 = tpu.vector_load %arg14[%swap3A_90] {strides = array<i32>} : memref<256xf32, #tpu.memory_space<vmem>>, vector<16xf32>,
    %swap3A_92 = vector.shape_cast %swap3A_91 : vector<16xf32> to vector<16xf32>
    %swap3A_93 = vector.shape_cast %broadcast_in_dim3A_42 : vector<16xf32> to vector<16xf32>
    tpu.vector_store %arg14[%swap3A_90], %swap3A_93 {strides = array<i32>} : memref<256xf32, #tpu.memory_space<vmem>>, vector<16xf32>,
    %swap3A_94 = arith.constant 80 : index
    %swap3A_95 = tpu.vector_load %arg14[%swap3A_94] {strides = array<i32>} : memref<256xf32, #tpu.memory_space<vmem>>, vector<16xf32>,
    %swap3A_96 = vector.shape_cast %swap3A_95 : vector<16xf32> to vector<16xf32>
    %swap3A_97 = vector.shape_cast %broadcast_in_dim3A_42 : vector<16xf32> to vector<16xf32>
    tpu.vector_store %arg14[%swap3A_94], %swap3A_97 {strides = array<i32>} : memref<256xf32, #tpu.memory_space<vmem>>, vector<16xf32>,
    %swap3A_98 = arith.constant 96 : index
    %swap3A_99 = tpu.vector_load %arg14[%swap3A_98] {strides = array<i32>} : memref<256xf32, #tpu.memory_space<vmem>>, vector<16xf32>,
    %swap3A_100 = vector.shape_cast %swap3A_99 : vector<16xf32> to vector<16xf32>
    %swap3A_101 = vector.shape_cast %broadcast_in_dim3A_42 : vector<16xf32> to vector<16xf32>
    tpu.vector_store %arg14[%swap3A_98], %swap3A_101 {strides = array<i32>} : memref<256xf32, #tpu.memory_space<vmem>>, vector<16xf32>,
    %swap3A_102 = arith.constant 112 : index
    %swap3A_103 = tpu.vector_load %arg14[%swap3A_102] {strides = array<i32>} : memref<256xf32, #tpu.memory_space<vmem>>, vector<16xf32>,
    %swap3A_104 = vector.shape_cast %swap3A_103 : vector<16xf32> to vector<16xf32>
    %swap3A_105 = vector.shape_cast %broadcast_in_dim3A_42 : vector<16xf32> to vector<16xf32>
    tpu.vector_store %arg14[%swap3A_102], %swap3A_105 {strides = array<i32>} : memref<256xf32, #tpu.memory_space<vmem>>, vector<16xf32>,
    %swap3A_106 = arith.constant 128 : index
    %swap3A_107 = tpu.vector_load %arg14[%swap3A_106] {strides = array<i32>} : memref<256xf32, #tpu.memory_space<vmem>>, vector<16xf32>,
    %swap3A_108 = vector.shape_cast %swap3A_107 : vector<16xf32> to vector<16xf32>
    %swap3A_109 = vector.shape_cast %broadcast_in_dim3A_42 : vector<16xf32> to vector<16xf32>
    tpu.vector_store %arg14[%swap3A_106], %swap3A_109 {strides = array<i32>} : memref<256xf32, #tpu.memory_space<vmem>>, vector<16xf32>,
    %swap3A_110 = arith.constant 144 : index
    %swap3A_111 = tpu.vector_load %arg14[%swap3A_110] {strides = array<i32>} : memref<256xf32, #tpu.memory_space<vmem>>, vector<16xf32>,
    %swap3A_112 = vector.shape_cast %swap3A_111 : vector<16xf32> to vector<16xf32>
    %swap3A_113 = vector.shape_cast %broadcast_in_dim3A_42 : vector<16xf32> to vector<16xf32>
    tpu.vector_store %arg14[%swap3A_110], %swap3A_113 {strides = array<i32>} : memref<256xf32, #tpu.memory_space<vmem>>, vector<16xf32>,
    %swap3A_114 = arith.constant 160 : index
    %swap3A_115 = tpu.vector_load %arg14[%swap3A_114] {strides = array<i32>} : memref<256xf32, #tpu.memory_space<vmem>>, vector<16xf32>,
    %swap3A_116 = vector.shape_cast %swap3A_115 : vector<16xf32> to vector<16xf32>
    %swap3A_117 = vector.shape_cast %broadcast_in_dim3A_42 : vector<16xf32> to vector<16xf32>
    tpu.vector_store %arg14[%swap3A_114], %swap3A_117 {strides = array<i32>} : memref<256xf32, #tpu.memory_space<vmem>>, vector<16xf32>,
    %swap3A_118 = arith.constant 176 : index
    %swap3A_119 = tpu.vector_load %arg14[%swap3A_118] {strides = array<i32>} : memref<256xf32, #tpu.memory_space<vmem>>, vector<16xf32>,
    %swap3A_120 = vector.shape_cast %swap3A_119 : vector<16xf32> to vector<16xf32>
    %swap3A_121 = vector.shape_cast %broadcast_in_dim3A_42 : vector<16xf32> to vector<16xf32>
    tpu.vector_store %arg14[%swap3A_118], %swap3A_121 {strides = array<i32>} : memref<256xf32, #tpu.memory_space<vmem>>, vector<16xf32>,
    %swap3A_122 = arith.constant 192 : index
    %swap3A_123 = tpu.vector_load %arg14[%swap3A_122] {strides = array<i32>} : memref<256xf32, #tpu.memory_space<vmem>>, vector<16xf32>,
    %swap3A_124 = vector.shape_cast %swap3A_123 : vector<16xf32> to vector<16xf32>
    %swap3A_125 = vector.shape_cast %broadcast_in_dim3A_42 : vector<16xf32> to vector<16xf32>
    tpu.vector_store %arg14[%swap3A_122], %swap3A_125 {strides = array<i32>} : memref<256xf32, #tpu.memory_space<vmem>>, vector<16xf32>,
    %swap3A_126 = arith.constant 208 : index
    %swap3A_127 = tpu.vector_load %arg14[%swap3A_126] {strides = array<i32>} : memref<256xf32, #tpu.memory_space<vmem>>, vector<16xf32>,
    %swap3A_128 = vector.shape_cast %swap3A_127 : vector<16xf32> to vector<16xf32>
    %swap3A_129 = vector.shape_cast %broadcast_in_dim3A_42 : vector<16xf32> to vector<16xf32>
    tpu.vector_store %arg14[%swap3A_126], %swap3A_129 {strides = array<i32>} : memref<256xf32, #tpu.memory_space<vmem>>, vector<16xf32>,
    %swap3A_130 = arith.constant 224 : index
    %swap3A_131 = tpu.vector_load %arg14[%swap3A_130] {strides = array<i32>} : memref<256xf32, #tpu.memory_space<vmem>>, vector<16xf32>,
    %swap3A_132 = vector.shape_cast %swap3A_131 : vector<16xf32> to vector<16xf32>
    %swap3A_133 = vector.shape_cast %broadcast_in_dim3A_42 : vector<16xf32> to vector<16xf32>
    tpu.vector_store %arg14[%swap3A_130], %swap3A_133 {strides = array<i32>} : memref<256xf32, #tpu.memory_space<vmem>>, vector<16xf32>,
    %swap3A_134 = arith.constant 240 : index
    %swap3A_135 = tpu.vector_load %arg14[%swap3A_134] {strides = array<i32>} : memref<256xf32, #tpu.memory_space<vmem>>, vector<16xf32>,
    %swap3A_136 = vector.shape_cast %swap3A_135 : vector<16xf32> to vector<16xf32>
    %swap3A_137 = vector.shape_cast %broadcast_in_dim3A_42 : vector<16xf32> to vector<16xf32>
    tpu.vector_store %arg14[%swap3A_134], %swap3A_137 {strides = array<i32>} : memref<256xf32, #tpu.memory_space<vmem>>, vector<16xf32>,
    %scan3A = arith.constant 0 : i32
    %scan3A_138 = arith.constant 0 : i32
    %scan3A_139 = arith.constant 80 : i32
    %scan3A_140 = arith.addi %scan3A_138, %scan3A_139 : i32
    %scan3A_141 = arith.constant 1 : i32
    scf.for %scan3A_198 = %scan3A_138 to %scan3A_140 step %scan3A_141  : i32 {
      %swap3A_199 = arith.index_cast %scan3A_198 : i32 to index
      %swap3A_200 = arith.constant 0 : index
      %swap3A_201 = tpu.vector_load %arg12[%swap3A_199, %swap3A_200] {strides = array<i32>} : memref<80x128xf32, #tpu.memory_space<vmem>>, vector<1x16xf32>,
      %swap3A_202 = vector.shape_cast %swap3A_201 : vector<1x16xf32> to vector<16xf32>
      %swap3A_203 = vector.shape_cast %broadcast_in_dim3A_42 : vector<16xf32> to vector<1x16xf32>
      tpu.vector_store %arg12[%swap3A_199, %swap3A_200], %swap3A_203 {strides = array<i32>} : memref<80x128xf32, #tpu.memory_space<vmem>>, vector<1x16xf32>,
      %swap3A_204 = arith.index_cast %scan3A_198 : i32 to index
      %swap3A_205 = arith.constant 16 : index
      %swap3A_206 = tpu.vector_load %arg12[%swap3A_204, %swap3A_205] {strides = array<i32>} : memref<80x128xf32, #tpu.memory_space<vmem>>, vector<1x16xf32>,
      %swap3A_207 = vector.shape_cast %swap3A_206 : vector<1x16xf32> to vector<16xf32>
      %swap3A_208 = vector.shape_cast %broadcast_in_dim3A_42 : vector<16xf32> to vector<1x16xf32>
      tpu.vector_store %arg12[%swap3A_204, %swap3A_205], %swap3A_208 {strides = array<i32>} : memref<80x128xf32, #tpu.memory_space<vmem>>, vector<1x16xf32>,
      %swap3A_209 = arith.index_cast %scan3A_198 : i32 to index
      %swap3A_210 = arith.constant 32 : index
      %swap3A_211 = tpu.vector_load %arg12[%swap3A_209, %swap3A_210] {strides = array<i32>} : memref<80x128xf32, #tpu.memory_space<vmem>>, vector<1x16xf32>,
      %swap3A_212 = vector.shape_cast %swap3A_211 : vector<1x16xf32> to vector<16xf32>
      %swap3A_213 = vector.shape_cast %broadcast_in_dim3A_42 : vector<16xf32> to vector<1x16xf32>
      tpu.vector_store %arg12[%swap3A_209, %swap3A_210], %swap3A_213 {strides = array<i32>} : memref<80x128xf32, #tpu.memory_space<vmem>>, vector<1x16xf32>,
      %swap3A_214 = arith.index_cast %scan3A_198 : i32 to index
      %swap3A_215 = arith.constant 48 : index
      %swap3A_216 = tpu.vector_load %arg12[%swap3A_214, %swap3A_215] {strides = array<i32>} : memref<80x128xf32, #tpu.memory_space<vmem>>, vector<1x16xf32>,
      %swap3A_217 = vector.shape_cast %swap3A_216 : vector<1x16xf32> to vector<16xf32>
      %swap3A_218 = vector.shape_cast %broadcast_in_dim3A_42 : vector<16xf32> to vector<1x16xf32>
      tpu.vector_store %arg12[%swap3A_214, %swap3A_215], %swap3A_218 {strides = array<i32>} : memref<80x128xf32, #tpu.memory_space<vmem>>, vector<1x16xf32>,
      %swap3A_219 = arith.index_cast %scan3A_198 : i32 to index
      %swap3A_220 = arith.constant 64 : index
      %swap3A_221 = tpu.vector_load %arg12[%swap3A_219, %swap3A_220] {strides = array<i32>} : memref<80x128xf32, #tpu.memory_space<vmem>>, vector<1x16xf32>,
      %swap3A_222 = vector.shape_cast %swap3A_221 : vector<1x16xf32> to vector<16xf32>
      %swap3A_223 = vector.shape_cast %broadcast_in_dim3A_42 : vector<16xf32> to vector<1x16xf32>
      tpu.vector_store %arg12[%swap3A_219, %swap3A_220], %swap3A_223 {strides = array<i32>} : memref<80x128xf32, #tpu.memory_space<vmem>>, vector<1x16xf32>,
      %swap3A_224 = arith.index_cast %scan3A_198 : i32 to index
      %swap3A_225 = arith.constant 80 : index
      %swap3A_226 = tpu.vector_load %arg12[%swap3A_224, %swap3A_225] {strides = array<i32>} : memref<80x128xf32, #tpu.memory_space<vmem>>, vector<1x16xf32>,
      %swap3A_227 = vector.shape_cast %swap3A_226 : vector<1x16xf32> to vector<16xf32>
      %swap3A_228 = vector.shape_cast %broadcast_in_dim3A_42 : vector<16xf32> to vector<1x16xf32>
      tpu.vector_store %arg12[%swap3A_224, %swap3A_225], %swap3A_228 {strides = array<i32>} : memref<80x128xf32, #tpu.memory_space<vmem>>, vector<1x16xf32>,
      %swap3A_229 = arith.index_cast %scan3A_198 : i32 to index
      %swap3A_230 = arith.constant 96 : index
      %swap3A_231 = tpu.vector_load %arg12[%swap3A_229, %swap3A_230] {strides = array<i32>} : memref<80x128xf32, #tpu.memory_space<vmem>>, vector<1x16xf32>,
      %swap3A_232 = vector.shape_cast %swap3A_231 : vector<1x16xf32> to vector<16xf32>
      %swap3A_233 = vector.shape_cast %broadcast_in_dim3A_42 : vector<16xf32> to vector<1x16xf32>
      tpu.vector_store %arg12[%swap3A_229, %swap3A_230], %swap3A_233 {strides = array<i32>} : memref<80x128xf32, #tpu.memory_space<vmem>>, vector<1x16xf32>,
      %swap3A_234 = arith.index_cast %scan3A_198 : i32 to index
      %swap3A_235 = arith.constant 112 : index
      %swap3A_236 = tpu.vector_load %arg12[%swap3A_234, %swap3A_235] {strides = array<i32>} : memref<80x128xf32, #tpu.memory_space<vmem>>, vector<1x16xf32>,
      %swap3A_237 = vector.shape_cast %swap3A_236 : vector<1x16xf32> to vector<16xf32>
      %swap3A_238 = vector.shape_cast %broadcast_in_dim3A_42 : vector<16xf32> to vector<1x16xf32>
      tpu.vector_store %arg12[%swap3A_234, %swap3A_235], %swap3A_238 {strides = array<i32>} : memref<80x128xf32, #tpu.memory_space<vmem>>, vector<1x16xf32>,
    }
    %scan3A_142 = arith.constant 80 : i32
    %mul3A_143 = arith.constant 200 : i32
    %mul3A_144 = arith.muli %arg1, %mul3A_143 : i32
    %add3A_145 = arith.constant 0 : i32
    %add3A_146 = arith.addi %mul3A_144, %add3A_145 : i32
    "tpu.region"() ({
      %run_scoped3A = tpu.sem_alloc : memref<!tpu.dma_semaphore, #tpu.memory_space<semaphore_mem>>
      %dma_start3A_198 = arith.constant 0 : i32
      %dma_start3A_199 = arith.constant 0 : i32
      %dma_start3A_200 = tpu.memref_slice %arg12[%dma_start3A_198, %dma_start3A_199] : memref<80x128xf32, #tpu.memory_space<vmem>> -> memref<80x128xf32, #tpu.memory_space<vmem>>
      %dma_start3A_201 = arith.constant 0 : i32
      %dma_start3A_202 = tpu.memref_slice %arg15[%add3A_146, %dma_start3A_201] : memref<3200x128xf32, #tpu.memory_space<vmem_shared>> -> memref<80x128xf32, #tpu.memory_space<vmem_shared>>
      %dma_start3A_203 = arith.constant 0 : i32
      %dma_start3A_204 = tpu.memref_slice %arg15[%add3A_146, %dma_start3A_203] : memref<3200x128xf32, #tpu.memory_space<vmem_shared>> -> memref<80x128xf32, #tpu.memory_space<vmem_shared>>
      %dma_start3A_205 = arith.constant 0 : i32
      %dma_start3A_206 = arith.constant 0 : i32
      %dma_start3A_207 = tpu.memref_slice %arg12[%dma_start3A_205, %dma_start3A_206] : memref<80x128xf32, #tpu.memory_space<vmem>> -> memref<80x128xf32, #tpu.memory_space<vmem>>
      tpu.enqueue_dma source(%dma_start3A_207 : memref<80x128xf32, #tpu.memory_space<vmem>>) target(%dma_start3A_204 : memref<80x128xf32, #tpu.memory_space<vmem_shared>>) target_semaphore(%run_scoped3A : memref<!tpu.dma_semaphore, #tpu.memory_space<semaphore_mem>>)
      %dma_wait3A_208 = arith.constant 0 : i32
      %dma_wait3A_209 = arith.constant 0 : i32
      %dma_wait3A_210 = tpu.memref_slice %arg12[%dma_wait3A_208, %dma_wait3A_209] : memref<80x128xf32, #tpu.memory_space<vmem>> -> memref<80x128xf32, #tpu.memory_space<vmem>>
      %dma_wait3A_211 = arith.constant 0 : i32
      %dma_wait3A_212 = tpu.memref_slice %arg15[%add3A_146, %dma_wait3A_211] : memref<3200x128xf32, #tpu.memory_space<vmem_shared>> -> memref<80x128xf32, #tpu.memory_space<vmem_shared>>
      %dma_wait3A_213 = arith.constant 0 : i32
      %dma_wait3A_214 = tpu.memref_slice %arg15[%add3A_146, %dma_wait3A_213] : memref<3200x128xf32, #tpu.memory_space<vmem_shared>> -> memref<80x128xf32, #tpu.memory_space<vmem_shared>>
      %dma_wait3A_215 = arith.constant 0 : i32
      %dma_wait3A_216 = arith.constant 0 : i32
      %dma_wait3A_217 = tpu.memref_slice %arg12[%dma_wait3A_215, %dma_wait3A_216] : memref<80x128xf32, #tpu.memory_space<vmem>> -> memref<80x128xf32, #tpu.memory_space<vmem>>
      tpu.wait_dma2 semaphore(%run_scoped3A : memref<!tpu.dma_semaphore, #tpu.memory_space<semaphore_mem>>) src(%dma_wait3A_217 : memref<80x128xf32, #tpu.memory_space<vmem>>) dst(%dma_wait3A_214 : memref<80x128xf32, #tpu.memory_space<vmem_shared>>)
      tpu.yield
    }) : () -> ()
    %add3A_147 = arith.constant 80 : i32
    %add3A_148 = arith.addi %mul3A_144, %add3A_147 : i32
    "tpu.region"() ({
      %run_scoped3A = tpu.sem_alloc : memref<!tpu.dma_semaphore, #tpu.memory_space<semaphore_mem>>
      %dma_start3A_198 = arith.constant 0 : i32
      %dma_start3A_199 = arith.constant 0 : i32
      %dma_start3A_200 = tpu.memref_slice %arg12[%dma_start3A_198, %dma_start3A_199] : memref<80x128xf32, #tpu.memory_space<vmem>> -> memref<80x128xf32, #tpu.memory_space<vmem>>
      %dma_start3A_201 = arith.constant 0 : i32
      %dma_start3A_202 = tpu.memref_slice %arg15[%add3A_148, %dma_start3A_201] : memref<3200x128xf32, #tpu.memory_space<vmem_shared>> -> memref<80x128xf32, #tpu.memory_space<vmem_shared>>
      %dma_start3A_203 = arith.constant 0 : i32
      %dma_start3A_204 = tpu.memref_slice %arg15[%add3A_148, %dma_start3A_203] : memref<3200x128xf32, #tpu.memory_space<vmem_shared>> -> memref<80x128xf32, #tpu.memory_space<vmem_shared>>
      %dma_start3A_205 = arith.constant 0 : i32
      %dma_start3A_206 = arith.constant 0 : i32
      %dma_start3A_207 = tpu.memref_slice %arg12[%dma_start3A_205, %dma_start3A_206] : memref<80x128xf32, #tpu.memory_space<vmem>> -> memref<80x128xf32, #tpu.memory_space<vmem>>
      tpu.enqueue_dma source(%dma_start3A_207 : memref<80x128xf32, #tpu.memory_space<vmem>>) target(%dma_start3A_204 : memref<80x128xf32, #tpu.memory_space<vmem_shared>>) target_semaphore(%run_scoped3A : memref<!tpu.dma_semaphore, #tpu.memory_space<semaphore_mem>>)
      %dma_wait3A_208 = arith.constant 0 : i32
      %dma_wait3A_209 = arith.constant 0 : i32
      %dma_wait3A_210 = tpu.memref_slice %arg12[%dma_wait3A_208, %dma_wait3A_209] : memref<80x128xf32, #tpu.memory_space<vmem>> -> memref<80x128xf32, #tpu.memory_space<vmem>>
      %dma_wait3A_211 = arith.constant 0 : i32
      %dma_wait3A_212 = tpu.memref_slice %arg15[%add3A_148, %dma_wait3A_211] : memref<3200x128xf32, #tpu.memory_space<vmem_shared>> -> memref<80x128xf32, #tpu.memory_space<vmem_shared>>
      %dma_wait3A_213 = arith.constant 0 : i32
      %dma_wait3A_214 = tpu.memref_slice %arg15[%add3A_148, %dma_wait3A_213] : memref<3200x128xf32, #tpu.memory_space<vmem_shared>> -> memref<80x128xf32, #tpu.memory_space<vmem_shared>>
      %dma_wait3A_215 = arith.constant 0 : i32
      %dma_wait3A_216 = arith.constant 0 : i32
      %dma_wait3A_217 = tpu.memref_slice %arg12[%dma_wait3A_215, %dma_wait3A_216] : memref<80x128xf32, #tpu.memory_space<vmem>> -> memref<80x128xf32, #tpu.memory_space<vmem>>
      tpu.wait_dma2 semaphore(%run_scoped3A : memref<!tpu.dma_semaphore, #tpu.memory_space<semaphore_mem>>) src(%dma_wait3A_217 : memref<80x128xf32, #tpu.memory_space<vmem>>) dst(%dma_wait3A_214 : memref<80x128xf32, #tpu.memory_space<vmem_shared>>)
      tpu.yield
    }) : () -> ()
    %add3A_149 = arith.constant 160 : i32
    %add3A_150 = arith.addi %mul3A_144, %add3A_149 : i32
    "tpu.region"() ({
      %run_scoped3A = tpu.sem_alloc : memref<!tpu.dma_semaphore, #tpu.memory_space<semaphore_mem>>
      %dma_start3A_198 = arith.constant 0 : i32
      %dma_start3A_199 = arith.constant 0 : i32
      %dma_start3A_200 = tpu.memref_slice %arg12[%dma_start3A_198, %dma_start3A_199] : memref<80x128xf32, #tpu.memory_space<vmem>> -> memref<40x128xf32, #tpu.memory_space<vmem>>
      %dma_start3A_201 = arith.constant 0 : i32
      %dma_start3A_202 = tpu.memref_slice %arg15[%add3A_150, %dma_start3A_201] : memref<3200x128xf32, #tpu.memory_space<vmem_shared>> -> memref<40x128xf32, #tpu.memory_space<vmem_shared>>
      %dma_start3A_203 = arith.constant 0 : i32
      %dma_start3A_204 = tpu.memref_slice %arg15[%add3A_150, %dma_start3A_203] : memref<3200x128xf32, #tpu.memory_space<vmem_shared>> -> memref<40x128xf32, #tpu.memory_space<vmem_shared>>
      %dma_start3A_205 = arith.constant 0 : i32
      %dma_start3A_206 = arith.constant 0 : i32
      %dma_start3A_207 = tpu.memref_slice %arg12[%dma_start3A_205, %dma_start3A_206] : memref<80x128xf32, #tpu.memory_space<vmem>> -> memref<40x128xf32, #tpu.memory_space<vmem>>
      tpu.enqueue_dma source(%dma_start3A_207 : memref<40x128xf32, #tpu.memory_space<vmem>>) target(%dma_start3A_204 : memref<40x128xf32, #tpu.memory_space<vmem_shared>>) target_semaphore(%run_scoped3A : memref<!tpu.dma_semaphore, #tpu.memory_space<semaphore_mem>>)
      %dma_wait3A_208 = arith.constant 0 : i32
      %dma_wait3A_209 = arith.constant 0 : i32
      %dma_wait3A_210 = tpu.memref_slice %arg12[%dma_wait3A_208, %dma_wait3A_209] : memref<80x128xf32, #tpu.memory_space<vmem>> -> memref<40x128xf32, #tpu.memory_space<vmem>>
      %dma_wait3A_211 = arith.constant 0 : i32
      %dma_wait3A_212 = tpu.memref_slice %arg15[%add3A_150, %dma_wait3A_211] : memref<3200x128xf32, #tpu.memory_space<vmem_shared>> -> memref<40x128xf32, #tpu.memory_space<vmem_shared>>
      %dma_wait3A_213 = arith.constant 0 : i32
      %dma_wait3A_214 = tpu.memref_slice %arg15[%add3A_150, %dma_wait3A_213] : memref<3200x128xf32, #tpu.memory_space<vmem_shared>> -> memref<40x128xf32, #tpu.memory_space<vmem_shared>>
      %dma_wait3A_215 = arith.constant 0 : i32
      %dma_wait3A_216 = arith.constant 0 : i32
      %dma_wait3A_217 = tpu.memref_slice %arg12[%dma_wait3A_215, %dma_wait3A_216] : memref<80x128xf32, #tpu.memory_space<vmem>> -> memref<40x128xf32, #tpu.memory_space<vmem>>
      tpu.wait_dma2 semaphore(%run_scoped3A : memref<!tpu.dma_semaphore, #tpu.memory_space<semaphore_mem>>) src(%dma_wait3A_217 : memref<40x128xf32, #tpu.memory_space<vmem>>) dst(%dma_wait3A_214 : memref<40x128xf32, #tpu.memory_space<vmem_shared>>)
      tpu.yield
    }) : () -> ()
    "tpu.region"() ({
      %run_scoped3A = tpu.sem_alloc : memref<!tpu.dma_semaphore, #tpu.memory_space<semaphore_mem>>
      %dma_start3A_198 = arith.constant 0 : i32
      %dma_start3A_199 = tpu.memref_slice %arg14[%dma_start3A_198] : memref<256xf32, #tpu.memory_space<vmem>> -> memref<200xf32, #tpu.memory_space<vmem>>
      %dma_start3A_200 = tpu.memref_slice %arg16[%mul3A_144] : memref<3200xf32, #tpu.memory_space<vmem_shared>> -> memref<200xf32, #tpu.memory_space<vmem_shared>>
      %dma_start3A_201 = tpu.memref_slice %arg16[%mul3A_144] : memref<3200xf32, #tpu.memory_space<vmem_shared>> -> memref<200xf32, #tpu.memory_space<vmem_shared>>
      %dma_start3A_202 = arith.constant 0 : i32
      %dma_start3A_203 = tpu.memref_slice %arg14[%dma_start3A_202] : memref<256xf32, #tpu.memory_space<vmem>> -> memref<200xf32, #tpu.memory_space<vmem>>
      tpu.enqueue_dma source(%dma_start3A_203 : memref<200xf32, #tpu.memory_space<vmem>>) target(%dma_start3A_201 : memref<200xf32, #tpu.memory_space<vmem_shared>>) target_semaphore(%run_scoped3A : memref<!tpu.dma_semaphore, #tpu.memory_space<semaphore_mem>>)
      %dma_wait3A_204 = arith.constant 0 : i32
      %dma_wait3A_205 = tpu.memref_slice %arg14[%dma_wait3A_204] : memref<256xf32, #tpu.memory_space<vmem>> -> memref<200xf32, #tpu.memory_space<vmem>>
      %dma_wait3A_206 = tpu.memref_slice %arg16[%mul3A_144] : memref<3200xf32, #tpu.memory_space<vmem_shared>> -> memref<200xf32, #tpu.memory_space<vmem_shared>>
      %dma_wait3A_207 = tpu.memref_slice %arg16[%mul3A_144] : memref<3200xf32, #tpu.memory_space<vmem_shared>> -> memref<200xf32, #tpu.memory_space<vmem_shared>>
      %dma_wait3A_208 = arith.constant 0 : i32
      %dma_wait3A_209 = tpu.memref_slice %arg14[%dma_wait3A_208] : memref<256xf32, #tpu.memory_space<vmem>> -> memref<200xf32, #tpu.memory_space<vmem>>
      tpu.wait_dma2 semaphore(%run_scoped3A : memref<!tpu.dma_semaphore, #tpu.memory_space<semaphore_mem>>) src(%dma_wait3A_209 : memref<200xf32, #tpu.memory_space<vmem>>) dst(%dma_wait3A_207 : memref<200xf32, #tpu.memory_space<vmem_shared>>)
      tpu.yield
    }) : () -> ()
    %barrier3A = arith.constant 0 : index
    tpu.barrier barrier_id(%barrier3A)
    %dma_wait3A = arith.constant 0 : i32
    %dma_wait3A_151 = arith.constant 0 : i32
    %dma_wait3A_152 = tpu.memref_slice %arg3[%add3A, %dma_wait3A, %dma_wait3A_151] : memref<32x125x80xi32, #tpu.memory_space<hbm>> -> memref<1x125x80xi32, #tpu.memory_space<hbm>>
    %dma_wait3A_153 = tpu.memref_squeeze %dma_wait3A_152 : memref<1x125x80xi32, #tpu.memory_space<hbm>> -> memref<125x80xi32, #tpu.memory_space<hbm>>
    %dma_wait3A_154 = arith.constant 0 : i32
    %dma_wait3A_155 = arith.constant 0 : i32
    %dma_wait3A_156 = tpu.memref_slice %arg3[%add3A, %dma_wait3A_154, %dma_wait3A_155] : memref<32x125x80xi32, #tpu.memory_space<hbm>> -> memref<1x125x80xi32, #tpu.memory_space<hbm>>
    %dma_wait3A_157 = tpu.memref_squeeze %dma_wait3A_156 : memref<1x125x80xi32, #tpu.memory_space<hbm>> -> memref<125x80xi32, #tpu.memory_space<hbm>>
    tpu.wait_dma2 semaphore(%arg27 : memref<!tpu.dma_semaphore, #tpu.memory_space<semaphore_mem>>) src(%dma_wait3A_157 : memref<125x80xi32, #tpu.memory_space<hbm>>) dst(%arg6 : memref<125x80xi32, #tpu.memory_space<vmem>>)
    %scan3A_158 = arith.constant 0 : i32
    %scan3A_159 = arith.constant 0 : i32
    %scan3A_160 = arith.constant 25 : i32
    %scan3A_161 = arith.addi %scan3A_159, %scan3A_160 : i32
    %scan3A_162 = arith.constant 1 : i32
    scf.for %scan3A_198 = %scan3A_159 to %scan3A_161 step %scan3A_162  : i32 {
      %mul3A_199 = arith.constant 5 : i32
      %mul3A_200 = arith.muli %mul3A_199, %scan3A_198 : i32
      %dma_wait3A_201 = arith.constant 0 : i32
      %dma_wait3A_202 = arith.constant 0 : i32
      %dma_wait3A_203 = tpu.memref_slice %arg2[%dma_wait3A_201, %dma_wait3A_202] : memref<320000x128xf32, #tpu.memory_space<hbm>> -> memref<80x128xf32, #tpu.memory_space<hbm>>
      %dma_wait3A_204 = arith.constant 0 : i32
      %dma_wait3A_205 = arith.constant 0 : i32
      %dma_wait3A_206 = tpu.memref_slice %arg2[%dma_wait3A_204, %dma_wait3A_205] : memref<320000x128xf32, #tpu.memory_space<hbm>> -> memref<80x128xf32, #tpu.memory_space<hbm>>
      tpu.wait_dma2 semaphore(%arg17 : memref<!tpu.dma_semaphore, #tpu.memory_space<semaphore_mem>>) src(%dma_wait3A_206 : memref<80x128xf32, #tpu.memory_space<hbm>>) dst(%arg7 : memref<80x128xf32, #tpu.memory_space<vmem>>)
      %add3A_207 = arith.constant 0 : i32
      %add3A_208 = arith.addi %mul3A_200, %add3A_207 : i32
      %dma_start3A_209 = arith.constant 0 : i32
      %dma_start3A_210 = tpu.memref_slice %arg6[%add3A_208, %dma_start3A_209] : memref<125x80xi32, #tpu.memory_space<vmem>> -> memref<1x80xi32, #tpu.memory_space<vmem>>
      %dma_start3A_211 = tpu.memref_squeeze %dma_start3A_210 : memref<1x80xi32, #tpu.memory_space<vmem>> -> memref<80xi32, #tpu.memory_space<vmem>>
      %dma_start3A_212 = arith.constant 0 : i32
      %dma_start3A_213 = arith.constant 0 : i32
      %dma_start3A_214 = tpu.memref_slice %arg15[%dma_start3A_212, %dma_start3A_213] : memref<3200x128xf32, #tpu.memory_space<vmem_shared>> -> memref<3200x128xf32, #tpu.memory_space<vmem_shared>>
      tpu.enqueue_indirect_dma source(%arg7 : memref<80x128xf32, #tpu.memory_space<vmem>>) target(%dma_start3A_214 : memref<3200x128xf32, #tpu.memory_space<vmem_shared>>) offsets(%dma_start3A_211 : memref<80xi32, #tpu.memory_space<vmem>>) semaphore(%arg22 : memref<!tpu.dma_semaphore, #tpu.memory_space<semaphore_mem>>) {add = true}
      %dma_start3A_215 = arith.constant 0 : i32
      %dma_start3A_216 = tpu.memref_slice %arg13[%dma_start3A_215] : memref<128xf32, #tpu.memory_space<vmem>> -> memref<80xf32, #tpu.memory_space<vmem>>
      %dma_start3A_217 = arith.constant 0 : i32
      %dma_start3A_218 = tpu.memref_slice %arg6[%add3A_208, %dma_start3A_217] : memref<125x80xi32, #tpu.memory_space<vmem>> -> memref<1x80xi32, #tpu.memory_space<vmem>>
      %dma_start3A_219 = tpu.memref_squeeze %dma_start3A_218 : memref<1x80xi32, #tpu.memory_space<vmem>> -> memref<80xi32, #tpu.memory_space<vmem>>
      %dma_start3A_220 = arith.constant 0 : i32
      %dma_start3A_221 = tpu.memref_slice %arg16[%dma_start3A_220] : memref<3200xf32, #tpu.memory_space<vmem_shared>> -> memref<3200xf32, #tpu.memory_space<vmem_shared>>
      tpu.enqueue_indirect_dma source(%dma_start3A_216 : memref<80xf32, #tpu.memory_space<vmem>>) target(%dma_start3A_221 : memref<3200xf32, #tpu.memory_space<vmem_shared>>) offsets(%dma_start3A_219 : memref<80xi32, #tpu.memory_space<vmem>>) semaphore(%arg22 : memref<!tpu.dma_semaphore, #tpu.memory_space<semaphore_mem>>) {add = true}
      %dma_wait3A_222 = arith.constant 0 : i32
      %dma_wait3A_223 = arith.constant 0 : i32
      %dma_wait3A_224 = tpu.memref_slice %arg2[%dma_wait3A_222, %dma_wait3A_223] : memref<320000x128xf32, #tpu.memory_space<hbm>> -> memref<80x128xf32, #tpu.memory_space<hbm>>
      %dma_wait3A_225 = arith.constant 0 : i32
      %dma_wait3A_226 = arith.constant 0 : i32
      %dma_wait3A_227 = tpu.memref_slice %arg2[%dma_wait3A_225, %dma_wait3A_226] : memref<320000x128xf32, #tpu.memory_space<hbm>> -> memref<80x128xf32, #tpu.memory_space<hbm>>
      tpu.wait_dma2 semaphore(%arg18 : memref<!tpu.dma_semaphore, #tpu.memory_space<semaphore_mem>>) src(%dma_wait3A_227 : memref<80x128xf32, #tpu.memory_space<hbm>>) dst(%arg8 : memref<80x128xf32, #tpu.memory_space<vmem>>)
      %add3A_228 = arith.constant 1 : i32
      %add3A_229 = arith.addi %mul3A_200, %add3A_228 : i32
      %dma_start3A_230 = arith.constant 0 : i32
      %dma_start3A_231 = tpu.memref_slice %arg6[%add3A_229, %dma_start3A_230] : memref<125x80xi32, #tpu.memory_space<vmem>> -> memref<1x80xi32, #tpu.memory_space<vmem>>
      %dma_start3A_232 = tpu.memref_squeeze %dma_start3A_231 : memref<1x80xi32, #tpu.memory_space<vmem>> -> memref<80xi32, #tpu.memory_space<vmem>>
      %dma_start3A_233 = arith.constant 0 : i32
      %dma_start3A_234 = arith.constant 0 : i32
      %dma_start3A_235 = tpu.memref_slice %arg15[%dma_start3A_233, %dma_start3A_234] : memref<3200x128xf32, #tpu.memory_space<vmem_shared>> -> memref<3200x128xf32, #tpu.memory_space<vmem_shared>>
      tpu.enqueue_indirect_dma source(%arg8 : memref<80x128xf32, #tpu.memory_space<vmem>>) target(%dma_start3A_235 : memref<3200x128xf32, #tpu.memory_space<vmem_shared>>) offsets(%dma_start3A_232 : memref<80xi32, #tpu.memory_space<vmem>>) semaphore(%arg23 : memref<!tpu.dma_semaphore, #tpu.memory_space<semaphore_mem>>) {add = true}
      %dma_start3A_236 = arith.constant 0 : i32
      %dma_start3A_237 = tpu.memref_slice %arg13[%dma_start3A_236] : memref<128xf32, #tpu.memory_space<vmem>> -> memref<80xf32, #tpu.memory_space<vmem>>
      %dma_start3A_238 = arith.constant 0 : i32
      %dma_start3A_239 = tpu.memref_slice %arg6[%add3A_229, %dma_start3A_238] : memref<125x80xi32, #tpu.memory_space<vmem>> -> memref<1x80xi32, #tpu.memory_space<vmem>>
      %dma_start3A_240 = tpu.memref_squeeze %dma_start3A_239 : memref<1x80xi32, #tpu.memory_space<vmem>> -> memref<80xi32, #tpu.memory_space<vmem>>
      %dma_start3A_241 = arith.constant 0 : i32
      %dma_start3A_242 = tpu.memref_slice %arg16[%dma_start3A_241] : memref<3200xf32, #tpu.memory_space<vmem_shared>> -> memref<3200xf32, #tpu.memory_space<vmem_shared>>
      tpu.enqueue_indirect_dma source(%dma_start3A_237 : memref<80xf32, #tpu.memory_space<vmem>>) target(%dma_start3A_242 : memref<3200xf32, #tpu.memory_space<vmem_shared>>) offsets(%dma_start3A_240 : memref<80xi32, #tpu.memory_space<vmem>>) semaphore(%arg23 : memref<!tpu.dma_semaphore, #tpu.memory_space<semaphore_mem>>) {add = true}
      %dma_wait3A_243 = arith.constant 0 : i32
      %dma_wait3A_244 = arith.constant 0 : i32
      %dma_wait3A_245 = tpu.memref_slice %arg2[%dma_wait3A_243, %dma_wait3A_244] : memref<320000x128xf32, #tpu.memory_space<hbm>> -> memref<80x128xf32, #tpu.memory_space<hbm>>
      %dma_wait3A_246 = arith.constant 0 : i32
      %dma_wait3A_247 = arith.constant 0 : i32
      %dma_wait3A_248 = tpu.memref_slice %arg2[%dma_wait3A_246, %dma_wait3A_247] : memref<320000x128xf32, #tpu.memory_space<hbm>> -> memref<80x128xf32, #tpu.memory_space<hbm>>
      tpu.wait_dma2 semaphore(%arg19 : memref<!tpu.dma_semaphore, #tpu.memory_space<semaphore_mem>>) src(%dma_wait3A_248 : memref<80x128xf32, #tpu.memory_space<hbm>>) dst(%arg9 : memref<80x128xf32, #tpu.memory_space<vmem>>)
      %add3A_249 = arith.constant 2 : i32
      %add3A_250 = arith.addi %mul3A_200, %add3A_249 : i32
      %dma_start3A_251 = arith.constant 0 : i32
      %dma_start3A_252 = tpu.memref_slice %arg6[%add3A_250, %dma_start3A_251] : memref<125x80xi32, #tpu.memory_space<vmem>> -> memref<1x80xi32, #tpu.memory_space<vmem>>
      %dma_start3A_253 = tpu.memref_squeeze %dma_start3A_252 : memref<1x80xi32, #tpu.memory_space<vmem>> -> memref<80xi32, #tpu.memory_space<vmem>>
      %dma_start3A_254 = arith.constant 0 : i32
      %dma_start3A_255 = arith.constant 0 : i32
      %dma_start3A_256 = tpu.memref_slice %arg15[%dma_start3A_254, %dma_start3A_255] : memref<3200x128xf32, #tpu.memory_space<vmem_shared>> -> memref<3200x128xf32, #tpu.memory_space<vmem_shared>>
      tpu.enqueue_indirect_dma source(%arg9 : memref<80x128xf32, #tpu.memory_space<vmem>>) target(%dma_start3A_256 : memref<3200x128xf32, #tpu.memory_space<vmem_shared>>) offsets(%dma_start3A_253 : memref<80xi32, #tpu.memory_space<vmem>>) semaphore(%arg24 : memref<!tpu.dma_semaphore, #tpu.memory_space<semaphore_mem>>) {add = true}
      %dma_start3A_257 = arith.constant 0 : i32
      %dma_start3A_258 = tpu.memref_slice %arg13[%dma_start3A_257] : memref<128xf32, #tpu.memory_space<vmem>> -> memref<80xf32, #tpu.memory_space<vmem>>
      %dma_start3A_259 = arith.constant 0 : i32
      %dma_start3A_260 = tpu.memref_slice %arg6[%add3A_250, %dma_start3A_259] : memref<125x80xi32, #tpu.memory_space<vmem>> -> memref<1x80xi32, #tpu.memory_space<vmem>>
      %dma_start3A_261 = tpu.memref_squeeze %dma_start3A_260 : memref<1x80xi32, #tpu.memory_space<vmem>> -> memref<80xi32, #tpu.memory_space<vmem>>
      %dma_start3A_262 = arith.constant 0 : i32
      %dma_start3A_263 = tpu.memref_slice %arg16[%dma_start3A_262] : memref<3200xf32, #tpu.memory_space<vmem_shared>> -> memref<3200xf32, #tpu.memory_space<vmem_shared>>
      tpu.enqueue_indirect_dma source(%dma_start3A_258 : memref<80xf32, #tpu.memory_space<vmem>>) target(%dma_start3A_263 : memref<3200xf32, #tpu.memory_space<vmem_shared>>) offsets(%dma_start3A_261 : memref<80xi32, #tpu.memory_space<vmem>>) semaphore(%arg24 : memref<!tpu.dma_semaphore, #tpu.memory_space<semaphore_mem>>) {add = true}
      %dma_wait3A_264 = arith.constant 0 : i32
      %dma_wait3A_265 = tpu.memref_slice %arg6[%add3A_208, %dma_wait3A_264] : memref<125x80xi32, #tpu.memory_space<vmem>> -> memref<1x80xi32, #tpu.memory_space<vmem>>
      %dma_wait3A_266 = tpu.memref_squeeze %dma_wait3A_265 : memref<1x80xi32, #tpu.memory_space<vmem>> -> memref<80xi32, #tpu.memory_space<vmem>>
      %dma_wait3A_267 = arith.constant 0 : i32
      %dma_wait3A_268 = arith.constant 0 : i32
      %dma_wait3A_269 = tpu.memref_slice %arg15[%dma_wait3A_267, %dma_wait3A_268] : memref<3200x128xf32, #tpu.memory_space<vmem_shared>> -> memref<3200x128xf32, #tpu.memory_space<vmem_shared>>
      tpu.wait_indirect_dma semaphore(%arg22 : memref<!tpu.dma_semaphore, #tpu.memory_space<semaphore_mem>>) src(%arg7 : memref<80x128xf32, #tpu.memory_space<vmem>>) dst(%dma_wait3A_269 : memref<3200x128xf32, #tpu.memory_space<vmem_shared>>)
      %dma_wait3A_270 = arith.constant 0 : i32
      %dma_wait3A_271 = tpu.memref_slice %arg13[%dma_wait3A_270] : memref<128xf32, #tpu.memory_space<vmem>> -> memref<80xf32, #tpu.memory_space<vmem>>
      %dma_wait3A_272 = arith.constant 0 : i32
      %dma_wait3A_273 = tpu.memref_slice %arg6[%add3A_208, %dma_wait3A_272] : memref<125x80xi32, #tpu.memory_space<vmem>> -> memref<1x80xi32, #tpu.memory_space<vmem>>
      %dma_wait3A_274 = tpu.memref_squeeze %dma_wait3A_273 : memref<1x80xi32, #tpu.memory_space<vmem>> -> memref<80xi32, #tpu.memory_space<vmem>>
      %dma_wait3A_275 = arith.constant 0 : i32
      %dma_wait3A_276 = tpu.memref_slice %arg16[%dma_wait3A_275] : memref<3200xf32, #tpu.memory_space<vmem_shared>> -> memref<3200xf32, #tpu.memory_space<vmem_shared>>
      tpu.wait_indirect_dma semaphore(%arg22 : memref<!tpu.dma_semaphore, #tpu.memory_space<semaphore_mem>>) src(%dma_wait3A_271 : memref<80xf32, #tpu.memory_space<vmem>>) dst(%dma_wait3A_276 : memref<3200xf32, #tpu.memory_space<vmem_shared>>)
      %add3A_277 = arith.constant 0 : i32
      %add3A_278 = arith.addi %mul3A_200, %add3A_277 : i32
      %add3A_279 = arith.constant 5 : i32
      %add3A_280 = arith.addi %add3A_278, %add3A_279 : i32
      %min3A = arith.constant 124 : i32
      %min3A_281 = arith.minsi %add3A_280, %min3A : i32
      %mul3A_282 = arith.constant 80 : i32
      %mul3A_283 = arith.muli %min3A_281, %mul3A_282 : i32
      %add3A_284 = arith.addi %mul3A_2, %mul3A_283 : i32
      %dma_start3A_285 = arith.constant 0 : i32
      %dma_start3A_286 = tpu.memref_slice %arg2[%add3A_284, %dma_start3A_285] : memref<320000x128xf32, #tpu.memory_space<hbm>> -> memref<80x128xf32, #tpu.memory_space<hbm>>
      %dma_start3A_287 = arith.constant 0 : i32
      %dma_start3A_288 = tpu.memref_slice %arg2[%add3A_284, %dma_start3A_287] : memref<320000x128xf32, #tpu.memory_space<hbm>> -> memref<80x128xf32, #tpu.memory_space<hbm>>
      tpu.enqueue_dma source(%dma_start3A_288 : memref<80x128xf32, #tpu.memory_space<hbm>>) target(%arg7 : memref<80x128xf32, #tpu.memory_space<vmem>>) target_semaphore(%arg17 : memref<!tpu.dma_semaphore, #tpu.memory_space<semaphore_mem>>)
      %dma_wait3A_289 = arith.constant 0 : i32
      %dma_wait3A_290 = arith.constant 0 : i32
      %dma_wait3A_291 = tpu.memref_slice %arg2[%dma_wait3A_289, %dma_wait3A_290] : memref<320000x128xf32, #tpu.memory_space<hbm>> -> memref<80x128xf32, #tpu.memory_space<hbm>>
      %dma_wait3A_292 = arith.constant 0 : i32
      %dma_wait3A_293 = arith.constant 0 : i32
      %dma_wait3A_294 = tpu.memref_slice %arg2[%dma_wait3A_292, %dma_wait3A_293] : memref<320000x128xf32, #tpu.memory_space<hbm>> -> memref<80x128xf32, #tpu.memory_space<hbm>>
      tpu.wait_dma2 semaphore(%arg20 : memref<!tpu.dma_semaphore, #tpu.memory_space<semaphore_mem>>) src(%dma_wait3A_294 : memref<80x128xf32, #tpu.memory_space<hbm>>) dst(%arg10 : memref<80x128xf32, #tpu.memory_space<vmem>>)
      %add3A_295 = arith.constant 3 : i32
      %add3A_296 = arith.addi %mul3A_200, %add3A_295 : i32
      %dma_start3A_297 = arith.constant 0 : i32
      %dma_start3A_298 = tpu.memref_slice %arg6[%add3A_296, %dma_start3A_297] : memref<125x80xi32, #tpu.memory_space<vmem>> -> memref<1x80xi32, #tpu.memory_space<vmem>>
      %dma_start3A_299 = tpu.memref_squeeze %dma_start3A_298 : memref<1x80xi32, #tpu.memory_space<vmem>> -> memref<80xi32, #tpu.memory_space<vmem>>
      %dma_start3A_300 = arith.constant 0 : i32
      %dma_start3A_301 = arith.constant 0 : i32
      %dma_start3A_302 = tpu.memref_slice %arg15[%dma_start3A_300, %dma_start3A_301] : memref<3200x128xf32, #tpu.memory_space<vmem_shared>> -> memref<3200x128xf32, #tpu.memory_space<vmem_shared>>
      tpu.enqueue_indirect_dma source(%arg10 : memref<80x128xf32, #tpu.memory_space<vmem>>) target(%dma_start3A_302 : memref<3200x128xf32, #tpu.memory_space<vmem_shared>>) offsets(%dma_start3A_299 : memref<80xi32, #tpu.memory_space<vmem>>) semaphore(%arg25 : memref<!tpu.dma_semaphore, #tpu.memory_space<semaphore_mem>>) {add = true}
      %dma_start3A_303 = arith.constant 0 : i32
      %dma_start3A_304 = tpu.memref_slice %arg13[%dma_start3A_303] : memref<128xf32, #tpu.memory_space<vmem>> -> memref<80xf32, #tpu.memory_space<vmem>>
      %dma_start3A_305 = arith.constant 0 : i32
      %dma_start3A_306 = tpu.memref_slice %arg6[%add3A_296, %dma_start3A_305] : memref<125x80xi32, #tpu.memory_space<vmem>> -> memref<1x80xi32, #tpu.memory_space<vmem>>
      %dma_start3A_307 = tpu.memref_squeeze %dma_start3A_306 : memref<1x80xi32, #tpu.memory_space<vmem>> -> memref<80xi32, #tpu.memory_space<vmem>>
      %dma_start3A_308 = arith.constant 0 : i32
      %dma_start3A_309 = tpu.memref_slice %arg16[%dma_start3A_308] : memref<3200xf32, #tpu.memory_space<vmem_shared>> -> memref<3200xf32, #tpu.memory_space<vmem_shared>>
      tpu.enqueue_indirect_dma source(%dma_start3A_304 : memref<80xf32, #tpu.memory_space<vmem>>) target(%dma_start3A_309 : memref<3200xf32, #tpu.memory_space<vmem_shared>>) offsets(%dma_start3A_307 : memref<80xi32, #tpu.memory_space<vmem>>) semaphore(%arg25 : memref<!tpu.dma_semaphore, #tpu.memory_space<semaphore_mem>>) {add = true}
      %dma_wait3A_310 = arith.constant 0 : i32
      %dma_wait3A_311 = tpu.memref_slice %arg6[%add3A_229, %dma_wait3A_310] : memref<125x80xi32, #tpu.memory_space<vmem>> -> memref<1x80xi32, #tpu.memory_space<vmem>>
      %dma_wait3A_312 = tpu.memref_squeeze %dma_wait3A_311 : memref<1x80xi32, #tpu.memory_space<vmem>> -> memref<80xi32, #tpu.memory_space<vmem>>
      %dma_wait3A_313 = arith.constant 0 : i32
      %dma_wait3A_314 = arith.constant 0 : i32
      %dma_wait3A_315 = tpu.memref_slice %arg15[%dma_wait3A_313, %dma_wait3A_314] : memref<3200x128xf32, #tpu.memory_space<vmem_shared>> -> memref<3200x128xf32, #tpu.memory_space<vmem_shared>>
      tpu.wait_indirect_dma semaphore(%arg23 : memref<!tpu.dma_semaphore, #tpu.memory_space<semaphore_mem>>) src(%arg8 : memref<80x128xf32, #tpu.memory_space<vmem>>) dst(%dma_wait3A_315 : memref<3200x128xf32, #tpu.memory_space<vmem_shared>>)
      %dma_wait3A_316 = arith.constant 0 : i32
      %dma_wait3A_317 = tpu.memref_slice %arg13[%dma_wait3A_316] : memref<128xf32, #tpu.memory_space<vmem>> -> memref<80xf32, #tpu.memory_space<vmem>>
      %dma_wait3A_318 = arith.constant 0 : i32
      %dma_wait3A_319 = tpu.memref_slice %arg6[%add3A_229, %dma_wait3A_318] : memref<125x80xi32, #tpu.memory_space<vmem>> -> memref<1x80xi32, #tpu.memory_space<vmem>>
      %dma_wait3A_320 = tpu.memref_squeeze %dma_wait3A_319 : memref<1x80xi32, #tpu.memory_space<vmem>> -> memref<80xi32, #tpu.memory_space<vmem>>
      %dma_wait3A_321 = arith.constant 0 : i32
      %dma_wait3A_322 = tpu.memref_slice %arg16[%dma_wait3A_321] : memref<3200xf32, #tpu.memory_space<vmem_shared>> -> memref<3200xf32, #tpu.memory_space<vmem_shared>>
      tpu.wait_indirect_dma semaphore(%arg23 : memref<!tpu.dma_semaphore, #tpu.memory_space<semaphore_mem>>) src(%dma_wait3A_317 : memref<80xf32, #tpu.memory_space<vmem>>) dst(%dma_wait3A_322 : memref<3200xf32, #tpu.memory_space<vmem_shared>>)
      %add3A_323 = arith.constant 1 : i32
      %add3A_324 = arith.addi %mul3A_200, %add3A_323 : i32
      %add3A_325 = arith.constant 5 : i32
      %add3A_326 = arith.addi %add3A_324, %add3A_325 : i32
      %min3A_327 = arith.constant 124 : i32
      %min3A_328 = arith.minsi %add3A_326, %min3A_327 : i32
      %mul3A_329 = arith.constant 80 : i32
      %mul3A_330 = arith.muli %min3A_328, %mul3A_329 : i32
      %add3A_331 = arith.addi %mul3A_2, %mul3A_330 : i32
      %dma_start3A_332 = arith.constant 0 : i32
      %dma_start3A_333 = tpu.memref_slice %arg2[%add3A_331, %dma_start3A_332] : memref<320000x128xf32, #tpu.memory_space<hbm>> -> memref<80x128xf32, #tpu.memory_space<hbm>>
      %dma_start3A_334 = arith.constant 0 : i32
      %dma_start3A_335 = tpu.memref_slice %arg2[%add3A_331, %dma_start3A_334] : memref<320000x128xf32, #tpu.memory_space<hbm>> -> memref<80x128xf32, #tpu.memory_space<hbm>>
      tpu.enqueue_dma source(%dma_start3A_335 : memref<80x128xf32, #tpu.memory_space<hbm>>) target(%arg8 : memref<80x128xf32, #tpu.memory_space<vmem>>) target_semaphore(%arg18 : memref<!tpu.dma_semaphore, #tpu.memory_space<semaphore_mem>>)
      %dma_wait3A_336 = arith.constant 0 : i32
      %dma_wait3A_337 = arith.constant 0 : i32
      %dma_wait3A_338 = tpu.memref_slice %arg2[%dma_wait3A_336, %dma_wait3A_337] : memref<320000x128xf32, #tpu.memory_space<hbm>> -> memref<80x128xf32, #tpu.memory_space<hbm>>
      %dma_wait3A_339 = arith.constant 0 : i32
      %dma_wait3A_340 = arith.constant 0 : i32
      %dma_wait3A_341 = tpu.memref_slice %arg2[%dma_wait3A_339, %dma_wait3A_340] : memref<320000x128xf32, #tpu.memory_space<hbm>> -> memref<80x128xf32, #tpu.memory_space<hbm>>
      tpu.wait_dma2 semaphore(%arg21 : memref<!tpu.dma_semaphore, #tpu.memory_space<semaphore_mem>>) src(%dma_wait3A_341 : memref<80x128xf32, #tpu.memory_space<hbm>>) dst(%arg11 : memref<80x128xf32, #tpu.memory_space<vmem>>)
      %add3A_342 = arith.constant 4 : i32
      %add3A_343 = arith.addi %mul3A_200, %add3A_342 : i32
      %dma_start3A_344 = arith.constant 0 : i32
      %dma_start3A_345 = tpu.memref_slice %arg6[%add3A_343, %dma_start3A_344] : memref<125x80xi32, #tpu.memory_space<vmem>> -> memref<1x80xi32, #tpu.memory_space<vmem>>
      %dma_start3A_346 = tpu.memref_squeeze %dma_start3A_345 : memref<1x80xi32, #tpu.memory_space<vmem>> -> memref<80xi32, #tpu.memory_space<vmem>>
      %dma_start3A_347 = arith.constant 0 : i32
      %dma_start3A_348 = arith.constant 0 : i32
      %dma_start3A_349 = tpu.memref_slice %arg15[%dma_start3A_347, %dma_start3A_348] : memref<3200x128xf32, #tpu.memory_space<vmem_shared>> -> memref<3200x128xf32, #tpu.memory_space<vmem_shared>>
      tpu.enqueue_indirect_dma source(%arg11 : memref<80x128xf32, #tpu.memory_space<vmem>>) target(%dma_start3A_349 : memref<3200x128xf32, #tpu.memory_space<vmem_shared>>) offsets(%dma_start3A_346 : memref<80xi32, #tpu.memory_space<vmem>>) semaphore(%arg26 : memref<!tpu.dma_semaphore, #tpu.memory_space<semaphore_mem>>) {add = true}
      %dma_start3A_350 = arith.constant 0 : i32
      %dma_start3A_351 = tpu.memref_slice %arg13[%dma_start3A_350] : memref<128xf32, #tpu.memory_space<vmem>> -> memref<80xf32, #tpu.memory_space<vmem>>
      %dma_start3A_352 = arith.constant 0 : i32
      %dma_start3A_353 = tpu.memref_slice %arg6[%add3A_343, %dma_start3A_352] : memref<125x80xi32, #tpu.memory_space<vmem>> -> memref<1x80xi32, #tpu.memory_space<vmem>>
      %dma_start3A_354 = tpu.memref_squeeze %dma_start3A_353 : memref<1x80xi32, #tpu.memory_space<vmem>> -> memref<80xi32, #tpu.memory_space<vmem>>
      %dma_start3A_355 = arith.constant 0 : i32
      %dma_start3A_356 = tpu.memref_slice %arg16[%dma_start3A_355] : memref<3200xf32, #tpu.memory_space<vmem_shared>> -> memref<3200xf32, #tpu.memory_space<vmem_shared>>
      tpu.enqueue_indirect_dma source(%dma_start3A_351 : memref<80xf32, #tpu.memory_space<vmem>>) target(%dma_start3A_356 : memref<3200xf32, #tpu.memory_space<vmem_shared>>) offsets(%dma_start3A_354 : memref<80xi32, #tpu.memory_space<vmem>>) semaphore(%arg26 : memref<!tpu.dma_semaphore, #tpu.memory_space<semaphore_mem>>) {add = true}
      %dma_wait3A_357 = arith.constant 0 : i32
      %dma_wait3A_358 = tpu.memref_slice %arg6[%add3A_250, %dma_wait3A_357] : memref<125x80xi32, #tpu.memory_space<vmem>> -> memref<1x80xi32, #tpu.memory_space<vmem>>
      %dma_wait3A_359 = tpu.memref_squeeze %dma_wait3A_358 : memref<1x80xi32, #tpu.memory_space<vmem>> -> memref<80xi32, #tpu.memory_space<vmem>>
      %dma_wait3A_360 = arith.constant 0 : i32
      %dma_wait3A_361 = arith.constant 0 : i32
      %dma_wait3A_362 = tpu.memref_slice %arg15[%dma_wait3A_360, %dma_wait3A_361] : memref<3200x128xf32, #tpu.memory_space<vmem_shared>> -> memref<3200x128xf32, #tpu.memory_space<vmem_shared>>
      tpu.wait_indirect_dma semaphore(%arg24 : memref<!tpu.dma_semaphore, #tpu.memory_space<semaphore_mem>>) src(%arg9 : memref<80x128xf32, #tpu.memory_space<vmem>>) dst(%dma_wait3A_362 : memref<3200x128xf32, #tpu.memory_space<vmem_shared>>)
      %dma_wait3A_363 = arith.constant 0 : i32
      %dma_wait3A_364 = tpu.memref_slice %arg13[%dma_wait3A_363] : memref<128xf32, #tpu.memory_space<vmem>> -> memref<80xf32, #tpu.memory_space<vmem>>
      %dma_wait3A_365 = arith.constant 0 : i32
      %dma_wait3A_366 = tpu.memref_slice %arg6[%add3A_250, %dma_wait3A_365] : memref<125x80xi32, #tpu.memory_space<vmem>> -> memref<1x80xi32, #tpu.memory_space<vmem>>
      %dma_wait3A_367 = tpu.memref_squeeze %dma_wait3A_366 : memref<1x80xi32, #tpu.memory_space<vmem>> -> memref<80xi32, #tpu.memory_space<vmem>>
      %dma_wait3A_368 = arith.constant 0 : i32
      %dma_wait3A_369 = tpu.memref_slice %arg16[%dma_wait3A_368] : memref<3200xf32, #tpu.memory_space<vmem_shared>> -> memref<3200xf32, #tpu.memory_space<vmem_shared>>
      tpu.wait_indirect_dma semaphore(%arg24 : memref<!tpu.dma_semaphore, #tpu.memory_space<semaphore_mem>>) src(%dma_wait3A_364 : memref<80xf32, #tpu.memory_space<vmem>>) dst(%dma_wait3A_369 : memref<3200xf32, #tpu.memory_space<vmem_shared>>)
      %add3A_370 = arith.constant 2 : i32
      %add3A_371 = arith.addi %mul3A_200, %add3A_370 : i32
      %add3A_372 = arith.constant 5 : i32
      %add3A_373 = arith.addi %add3A_371, %add3A_372 : i32
      %min3A_374 = arith.constant 124 : i32
      %min3A_375 = arith.minsi %add3A_373, %min3A_374 : i32
      %mul3A_376 = arith.constant 80 : i32
      %mul3A_377 = arith.muli %min3A_375, %mul3A_376 : i32
      %add3A_378 = arith.addi %mul3A_2, %mul3A_377 : i32
      %dma_start3A_379 = arith.constant 0 : i32
      %dma_start3A_380 = tpu.memref_slice %arg2[%add3A_378, %dma_start3A_379] : memref<320000x128xf32, #tpu.memory_space<hbm>> -> memref<80x128xf32, #tpu.memory_space<hbm>>
      %dma_start3A_381 = arith.constant 0 : i32
      %dma_start3A_382 = tpu.memref_slice %arg2[%add3A_378, %dma_start3A_381] : memref<320000x128xf32, #tpu.memory_space<hbm>> -> memref<80x128xf32, #tpu.memory_space<hbm>>
      tpu.enqueue_dma source(%dma_start3A_382 : memref<80x128xf32, #tpu.memory_space<hbm>>) target(%arg9 : memref<80x128xf32, #tpu.memory_space<vmem>>) target_semaphore(%arg19 : memref<!tpu.dma_semaphore, #tpu.memory_space<semaphore_mem>>)
      %dma_wait3A_383 = arith.constant 0 : i32
      %dma_wait3A_384 = tpu.memref_slice %arg6[%add3A_296, %dma_wait3A_383] : memref<125x80xi32, #tpu.memory_space<vmem>> -> memref<1x80xi32, #tpu.memory_space<vmem>>
      %dma_wait3A_385 = tpu.memref_squeeze %dma_wait3A_384 : memref<1x80xi32, #tpu.memory_space<vmem>> -> memref<80xi32, #tpu.memory_space<vmem>>
      %dma_wait3A_386 = arith.constant 0 : i32
      %dma_wait3A_387 = arith.constant 0 : i32
      %dma_wait3A_388 = tpu.memref_slice %arg15[%dma_wait3A_386, %dma_wait3A_387] : memref<3200x128xf32, #tpu.memory_space<vmem_shared>> -> memref<3200x128xf32, #tpu.memory_space<vmem_shared>>
      tpu.wait_indirect_dma semaphore(%arg25 : memref<!tpu.dma_semaphore, #tpu.memory_space<semaphore_mem>>) src(%arg10 : memref<80x128xf32, #tpu.memory_space<vmem>>) dst(%dma_wait3A_388 : memref<3200x128xf32, #tpu.memory_space<vmem_shared>>)
      %dma_wait3A_389 = arith.constant 0 : i32
      %dma_wait3A_390 = tpu.memref_slice %arg13[%dma_wait3A_389] : memref<128xf32, #tpu.memory_space<vmem>> -> memref<80xf32, #tpu.memory_space<vmem>>
      %dma_wait3A_391 = arith.constant 0 : i32
      %dma_wait3A_392 = tpu.memref_slice %arg6[%add3A_296, %dma_wait3A_391] : memref<125x80xi32, #tpu.memory_space<vmem>> -> memref<1x80xi32, #tpu.memory_space<vmem>>
      %dma_wait3A_393 = tpu.memref_squeeze %dma_wait3A_392 : memref<1x80xi32, #tpu.memory_space<vmem>> -> memref<80xi32, #tpu.memory_space<vmem>>
      %dma_wait3A_394 = arith.constant 0 : i32
      %dma_wait3A_395 = tpu.memref_slice %arg16[%dma_wait3A_394] : memref<3200xf32, #tpu.memory_space<vmem_shared>> -> memref<3200xf32, #tpu.memory_space<vmem_shared>>
      tpu.wait_indirect_dma semaphore(%arg25 : memref<!tpu.dma_semaphore, #tpu.memory_space<semaphore_mem>>) src(%dma_wait3A_390 : memref<80xf32, #tpu.memory_space<vmem>>) dst(%dma_wait3A_395 : memref<3200xf32, #tpu.memory_space<vmem_shared>>)
      %add3A_396 = arith.constant 3 : i32
      %add3A_397 = arith.addi %mul3A_200, %add3A_396 : i32
      %add3A_398 = arith.constant 5 : i32
      %add3A_399 = arith.addi %add3A_397, %add3A_398 : i32
      %min3A_400 = arith.constant 124 : i32
      %min3A_401 = arith.minsi %add3A_399, %min3A_400 : i32
      %mul3A_402 = arith.constant 80 : i32
      %mul3A_403 = arith.muli %min3A_401, %mul3A_402 : i32
      %add3A_404 = arith.addi %mul3A_2, %mul3A_403 : i32
      %dma_start3A_405 = arith.constant 0 : i32
      %dma_start3A_406 = tpu.memref_slice %arg2[%add3A_404, %dma_start3A_405] : memref<320000x128xf32, #tpu.memory_space<hbm>> -> memref<80x128xf32, #tpu.memory_space<hbm>>
      %dma_start3A_407 = arith.constant 0 : i32
      %dma_start3A_408 = tpu.memref_slice %arg2[%add3A_404, %dma_start3A_407] : memref<320000x128xf32, #tpu.memory_space<hbm>> -> memref<80x128xf32, #tpu.memory_space<hbm>>
      tpu.enqueue_dma source(%dma_start3A_408 : memref<80x128xf32, #tpu.memory_space<hbm>>) target(%arg10 : memref<80x128xf32, #tpu.memory_space<vmem>>) target_semaphore(%arg20 : memref<!tpu.dma_semaphore, #tpu.memory_space<semaphore_mem>>)
      %dma_wait3A_409 = arith.constant 0 : i32
      %dma_wait3A_410 = tpu.memref_slice %arg6[%add3A_343, %dma_wait3A_409] : memref<125x80xi32, #tpu.memory_space<vmem>> -> memref<1x80xi32, #tpu.memory_space<vmem>>
      %dma_wait3A_411 = tpu.memref_squeeze %dma_wait3A_410 : memref<1x80xi32, #tpu.memory_space<vmem>> -> memref<80xi32, #tpu.memory_space<vmem>>
      %dma_wait3A_412 = arith.constant 0 : i32
      %dma_wait3A_413 = arith.constant 0 : i32
      %dma_wait3A_414 = tpu.memref_slice %arg15[%dma_wait3A_412, %dma_wait3A_413] : memref<3200x128xf32, #tpu.memory_space<vmem_shared>> -> memref<3200x128xf32, #tpu.memory_space<vmem_shared>>
      tpu.wait_indirect_dma semaphore(%arg26 : memref<!tpu.dma_semaphore, #tpu.memory_space<semaphore_mem>>) src(%arg11 : memref<80x128xf32, #tpu.memory_space<vmem>>) dst(%dma_wait3A_414 : memref<3200x128xf32, #tpu.memory_space<vmem_shared>>)
      %dma_wait3A_415 = arith.constant 0 : i32
      %dma_wait3A_416 = tpu.memref_slice %arg13[%dma_wait3A_415] : memref<128xf32, #tpu.memory_space<vmem>> -> memref<80xf32, #tpu.memory_space<vmem>>
      %dma_wait3A_417 = arith.constant 0 : i32
      %dma_wait3A_418 = tpu.memref_slice %arg6[%add3A_343, %dma_wait3A_417] : memref<125x80xi32, #tpu.memory_space<vmem>> -> memref<1x80xi32, #tpu.memory_space<vmem>>
      %dma_wait3A_419 = tpu.memref_squeeze %dma_wait3A_418 : memref<1x80xi32, #tpu.memory_space<vmem>> -> memref<80xi32, #tpu.memory_space<vmem>>
      %dma_wait3A_420 = arith.constant 0 : i32
      %dma_wait3A_421 = tpu.memref_slice %arg16[%dma_wait3A_420] : memref<3200xf32, #tpu.memory_space<vmem_shared>> -> memref<3200xf32, #tpu.memory_space<vmem_shared>>
      tpu.wait_indirect_dma semaphore(%arg26 : memref<!tpu.dma_semaphore, #tpu.memory_space<semaphore_mem>>) src(%dma_wait3A_416 : memref<80xf32, #tpu.memory_space<vmem>>) dst(%dma_wait3A_421 : memref<3200xf32, #tpu.memory_space<vmem_shared>>)
      %add3A_422 = arith.constant 4 : i32
      %add3A_423 = arith.addi %mul3A_200, %add3A_422 : i32
      %add3A_424 = arith.constant 5 : i32
      %add3A_425 = arith.addi %add3A_423, %add3A_424 : i32
      %min3A_426 = arith.constant 124 : i32
      %min3A_427 = arith.minsi %add3A_425, %min3A_426 : i32
      %mul3A_428 = arith.constant 80 : i32
      %mul3A_429 = arith.muli %min3A_427, %mul3A_428 : i32
      %add3A_430 = arith.addi %mul3A_2, %mul3A_429 : i32
      %dma_start3A_431 = arith.constant 0 : i32
      %dma_start3A_432 = tpu.memref_slice %arg2[%add3A_430, %dma_start3A_431] : memref<320000x128xf32, #tpu.memory_space<hbm>> -> memref<80x128xf32, #tpu.memory_space<hbm>>
      %dma_start3A_433 = arith.constant 0 : i32
      %dma_start3A_434 = tpu.memref_slice %arg2[%add3A_430, %dma_start3A_433] : memref<320000x128xf32, #tpu.memory_space<hbm>> -> memref<80x128xf32, #tpu.memory_space<hbm>>
      tpu.enqueue_dma source(%dma_start3A_434 : memref<80x128xf32, #tpu.memory_space<hbm>>) target(%arg11 : memref<80x128xf32, #tpu.memory_space<vmem>>) target_semaphore(%arg21 : memref<!tpu.dma_semaphore, #tpu.memory_space<semaphore_mem>>)
    }
    %scan3A_163 = arith.constant 25 : i32
    %dma_wait3A_164 = arith.constant 0 : i32
    %dma_wait3A_165 = arith.constant 0 : i32
    %dma_wait3A_166 = tpu.memref_slice %arg2[%dma_wait3A_164, %dma_wait3A_165] : memref<320000x128xf32, #tpu.memory_space<hbm>> -> memref<80x128xf32, #tpu.memory_space<hbm>>
    %dma_wait3A_167 = arith.constant 0 : i32
    %dma_wait3A_168 = arith.constant 0 : i32
    %dma_wait3A_169 = tpu.memref_slice %arg2[%dma_wait3A_167, %dma_wait3A_168] : memref<320000x128xf32, #tpu.memory_space<hbm>> -> memref<80x128xf32, #tpu.memory_space<hbm>>
    tpu.wait_dma2 semaphore(%arg17 : memref<!tpu.dma_semaphore, #tpu.memory_space<semaphore_mem>>) src(%dma_wait3A_169 : memref<80x128xf32, #tpu.memory_space<hbm>>) dst(%arg7 : memref<80x128xf32, #tpu.memory_space<vmem>>)
    %dma_wait3A_170 = arith.constant 0 : i32
    %dma_wait3A_171 = arith.constant 0 : i32
    %dma_wait3A_172 = tpu.memref_slice %arg2[%dma_wait3A_170, %dma_wait3A_171] : memref<320000x128xf32, #tpu.memory_space<hbm>> -> memref<80x128xf32, #tpu.memory_space<hbm>>
    %dma_wait3A_173 = arith.constant 0 : i32
    %dma_wait3A_174 = arith.constant 0 : i32
    %dma_wait3A_175 = tpu.memref_slice %arg2[%dma_wait3A_173, %dma_wait3A_174] : memref<320000x128xf32, #tpu.memory_space<hbm>> -> memref<80x128xf32, #tpu.memory_space<hbm>>
    tpu.wait_dma2 semaphore(%arg18 : memref<!tpu.dma_semaphore, #tpu.memory_space<semaphore_mem>>) src(%dma_wait3A_175 : memref<80x128xf32, #tpu.memory_space<hbm>>) dst(%arg8 : memref<80x128xf32, #tpu.memory_space<vmem>>)
    %dma_wait3A_176 = arith.constant 0 : i32
    %dma_wait3A_177 = arith.constant 0 : i32
    %dma_wait3A_178 = tpu.memref_slice %arg2[%dma_wait3A_176, %dma_wait3A_177] : memref<320000x128xf32, #tpu.memory_space<hbm>> -> memref<80x128xf32, #tpu.memory_space<hbm>>
    %dma_wait3A_179 = arith.constant 0 : i32
    %dma_wait3A_180 = arith.constant 0 : i32
    %dma_wait3A_181 = tpu.memref_slice %arg2[%dma_wait3A_179, %dma_wait3A_180] : memref<320000x128xf32, #tpu.memory_space<hbm>> -> memref<80x128xf32, #tpu.memory_space<hbm>>
    tpu.wait_dma2 semaphore(%arg19 : memref<!tpu.dma_semaphore, #tpu.memory_space<semaphore_mem>>) src(%dma_wait3A_181 : memref<80x128xf32, #tpu.memory_space<hbm>>) dst(%arg9 : memref<80x128xf32, #tpu.memory_space<vmem>>)
    %dma_wait3A_182 = arith.constant 0 : i32
    %dma_wait3A_183 = arith.constant 0 : i32
    %dma_wait3A_184 = tpu.memref_slice %arg2[%dma_wait3A_182, %dma_wait3A_183] : memref<320000x128xf32, #tpu.memory_space<hbm>> -> memref<80x128xf32, #tpu.memory_space<hbm>>
    %dma_wait3A_185 = arith.constant 0 : i32
    %dma_wait3A_186 = arith.constant 0 : i32
    %dma_wait3A_187 = tpu.memref_slice %arg2[%dma_wait3A_185, %dma_wait3A_186] : memref<320000x128xf32, #tpu.memory_space<hbm>> -> memref<80x128xf32, #tpu.memory_space<hbm>>
    tpu.wait_dma2 semaphore(%arg20 : memref<!tpu.dma_semaphore, #tpu.memory_space<semaphore_mem>>) src(%dma_wait3A_187 : memref<80x128xf32, #tpu.memory_space<hbm>>) dst(%arg10 : memref<80x128xf32, #tpu.memory_space<vmem>>)
    %dma_wait3A_188 = arith.constant 0 : i32
    %dma_wait3A_189 = arith.constant 0 : i32
    %dma_wait3A_190 = tpu.memref_slice %arg2[%dma_wait3A_188, %dma_wait3A_189] : memref<320000x128xf32, #tpu.memory_space<hbm>> -> memref<80x128xf32, #tpu.memory_space<hbm>>
    %dma_wait3A_191 = arith.constant 0 : i32
    %dma_wait3A_192 = arith.constant 0 : i32
    %dma_wait3A_193 = tpu.memref_slice %arg2[%dma_wait3A_191, %dma_wait3A_192] : memref<320000x128xf32, #tpu.memory_space<hbm>> -> memref<80x128xf32, #tpu.memory_space<hbm>>
    tpu.wait_dma2 semaphore(%arg21 : memref<!tpu.dma_semaphore, #tpu.memory_space<semaphore_mem>>) src(%dma_wait3A_193 : memref<80x128xf32, #tpu.memory_space<hbm>>) dst(%arg11 : memref<80x128xf32, #tpu.memory_space<vmem>>)
    %barrier3A_194 = arith.constant 0 : index
    tpu.barrier barrier_id(%barrier3A_194)
    "tpu.region"() ({
      %run_scoped3A = tpu.sem_alloc : memref<!tpu.dma_semaphore, #tpu.memory_space<semaphore_mem>>
      %dma_start3A_198 = arith.constant 0 : i32
      %dma_start3A_199 = tpu.memref_slice %arg4[%arg0, %mul3A_144, %dma_start3A_198] : memref<2x3200x128xf32, #tpu.memory_space<hbm>> -> memref<1x200x128xf32, #tpu.memory_space<hbm>>
      %dma_start3A_200 = tpu.memref_squeeze %dma_start3A_199 : memref<1x200x128xf32, #tpu.memory_space<hbm>> -> memref<200x128xf32, #tpu.memory_space<hbm>>
      %dma_start3A_201 = arith.constant 0 : i32
      %dma_start3A_202 = tpu.memref_slice %arg15[%mul3A_144, %dma_start3A_201] : memref<3200x128xf32, #tpu.memory_space<vmem_shared>> -> memref<200x128xf32, #tpu.memory_space<vmem_shared>>
      tpu.enqueue_dma source(%dma_start3A_202 : memref<200x128xf32, #tpu.memory_space<vmem_shared>>) target(%dma_start3A_200 : memref<200x128xf32, #tpu.memory_space<hbm>>) target_semaphore(%run_scoped3A : memref<!tpu.dma_semaphore, #tpu.memory_space<semaphore_mem>>)
      %dma_wait3A_203 = arith.constant 0 : i32
      %dma_wait3A_204 = tpu.memref_slice %arg4[%arg0, %mul3A_144, %dma_wait3A_203] : memref<2x3200x128xf32, #tpu.memory_space<hbm>> -> memref<1x200x128xf32, #tpu.memory_space<hbm>>
      %dma_wait3A_205 = tpu.memref_squeeze %dma_wait3A_204 : memref<1x200x128xf32, #tpu.memory_space<hbm>> -> memref<200x128xf32, #tpu.memory_space<hbm>>
      %dma_wait3A_206 = arith.constant 0 : i32
      %dma_wait3A_207 = tpu.memref_slice %arg15[%mul3A_144, %dma_wait3A_206] : memref<3200x128xf32, #tpu.memory_space<vmem_shared>> -> memref<200x128xf32, #tpu.memory_space<vmem_shared>>
      tpu.wait_dma2 semaphore(%run_scoped3A : memref<!tpu.dma_semaphore, #tpu.memory_space<semaphore_mem>>) src(%dma_wait3A_207 : memref<200x128xf32, #tpu.memory_space<vmem_shared>>) dst(%dma_wait3A_205 : memref<200x128xf32, #tpu.memory_space<hbm>>)
      tpu.yield
    }) : () -> ()
    "tpu.region"() ({
      %run_scoped3A = tpu.sem_alloc : memref<!tpu.dma_semaphore, #tpu.memory_space<semaphore_mem>>
      %dma_start3A_198 = arith.constant 0 : i32
      %dma_start3A_199 = tpu.memref_slice %arg14[%dma_start3A_198] : memref<256xf32, #tpu.memory_space<vmem>> -> memref<200xf32, #tpu.memory_space<vmem>>
      %dma_start3A_200 = tpu.memref_slice %arg16[%mul3A_144] : memref<3200xf32, #tpu.memory_space<vmem_shared>> -> memref<200xf32, #tpu.memory_space<vmem_shared>>
      %dma_start3A_201 = arith.constant 0 : i32
      %dma_start3A_202 = tpu.memref_slice %arg14[%dma_start3A_201] : memref<256xf32, #tpu.memory_space<vmem>> -> memref<200xf32, #tpu.memory_space<vmem>>
      %dma_start3A_203 = tpu.memref_slice %arg16[%mul3A_144] : memref<3200xf32, #tpu.memory_space<vmem_shared>> -> memref<200xf32, #tpu.memory_space<vmem_shared>>
      tpu.enqueue_dma source(%dma_start3A_203 : memref<200xf32, #tpu.memory_space<vmem_shared>>) target(%dma_start3A_202 : memref<200xf32, #tpu.memory_space<vmem>>) target_semaphore(%run_scoped3A : memref<!tpu.dma_semaphore, #tpu.memory_space<semaphore_mem>>)
      %dma_wait3A_204 = arith.constant 0 : i32
      %dma_wait3A_205 = tpu.memref_slice %arg14[%dma_wait3A_204] : memref<256xf32, #tpu.memory_space<vmem>> -> memref<200xf32, #tpu.memory_space<vmem>>
      %dma_wait3A_206 = tpu.memref_slice %arg16[%mul3A_144] : memref<3200xf32, #tpu.memory_space<vmem_shared>> -> memref<200xf32, #tpu.memory_space<vmem_shared>>
      %dma_wait3A_207 = arith.constant 0 : i32
      %dma_wait3A_208 = tpu.memref_slice %arg14[%dma_wait3A_207] : memref<256xf32, #tpu.memory_space<vmem>> -> memref<200xf32, #tpu.memory_space<vmem>>
      %dma_wait3A_209 = tpu.memref_slice %arg16[%mul3A_144] : memref<3200xf32, #tpu.memory_space<vmem_shared>> -> memref<200xf32, #tpu.memory_space<vmem_shared>>
      tpu.wait_dma2 semaphore(%run_scoped3A : memref<!tpu.dma_semaphore, #tpu.memory_space<semaphore_mem>>) src(%dma_wait3A_209 : memref<200xf32, #tpu.memory_space<vmem_shared>>) dst(%dma_wait3A_208 : memref<200xf32, #tpu.memory_space<vmem>>)
      tpu.yield
    }) : () -> ()
    %mul3A_195 = arith.constant 3200 : i32
    %mul3A_196 = arith.muli %arg0, %mul3A_195 : i32
    %add3A_197 = arith.addi %mul3A_196, %mul3A_144 : i32
    "tpu.region"() ({
      %run_scoped3A = tpu.sem_alloc : memref<!tpu.dma_semaphore, #tpu.memory_space<semaphore_mem>>
      %dma_start3A_198 = arith.constant 0 : i32
      %dma_start3A_199 = tpu.memref_slice %arg14[%dma_start3A_198] : memref<256xf32, #tpu.memory_space<vmem>> -> memref<200xf32, #tpu.memory_space<vmem>>
      %dma_start3A_200 = tpu.memref_slice %arg5[%add3A_197] : memref<6400xf32, #tpu.memory_space<hbm>> -> memref<200xf32, #tpu.memory_space<hbm>>
      %dma_start3A_201 = tpu.memref_slice %arg5[%add3A_197] : memref<6400xf32, #tpu.memory_space<hbm>> -> memref<200xf32, #tpu.memory_space<hbm>>
      %dma_start3A_202 = arith.constant 0 : i32
      %dma_start3A_203 = tpu.memref_slice %arg14[%dma_start3A_202] : memref<256xf32, #tpu.memory_space<vmem>> -> memref<200xf32, #tpu.memory_space<vmem>>
      tpu.enqueue_dma source(%dma_start3A_203 : memref<200xf32, #tpu.memory_space<vmem>>) target(%dma_start3A_201 : memref<200xf32, #tpu.memory_space<hbm>>) target_semaphore(%run_scoped3A : memref<!tpu.dma_semaphore, #tpu.memory_space<semaphore_mem>>)
      %dma_wait3A_204 = arith.constant 0 : i32
      %dma_wait3A_205 = tpu.memref_slice %arg14[%dma_wait3A_204] : memref<256xf32, #tpu.memory_space<vmem>> -> memref<200xf32, #tpu.memory_space<vmem>>
      %dma_wait3A_206 = tpu.memref_slice %arg5[%add3A_197] : memref<6400xf32, #tpu.memory_space<hbm>> -> memref<200xf32, #tpu.memory_space<hbm>>
      %dma_wait3A_207 = tpu.memref_slice %arg5[%add3A_197] : memref<6400xf32, #tpu.memory_space<hbm>> -> memref<200xf32, #tpu.memory_space<hbm>>
      %dma_wait3A_208 = arith.constant 0 : i32
      %dma_wait3A_209 = tpu.memref_slice %arg14[%dma_wait3A_208] : memref<256xf32, #tpu.memory_space<vmem>> -> memref<200xf32, #tpu.memory_space<vmem>>
      tpu.wait_dma2 semaphore(%run_scoped3A : memref<!tpu.dma_semaphore, #tpu.memory_space<semaphore_mem>>) src(%dma_wait3A_209 : memref<200xf32, #tpu.memory_space<vmem>>) dst(%dma_wait3A_207 : memref<200xf32, #tpu.memory_space<hbm>>)
      tpu.yield
    }) : () -> ()
    return
  }
}

module attributes {stable_mosaic.version = 14 : i64} {
  func.func @body(%arg0: memref<2x3200x128xf32, #tpu.memory_space<vmem>>, %arg1: memref<2x3200x1xf32, #tpu.memory_space<vmem>>, %arg2: memref<3200x1xi32, #tpu.memory_space<vmem>>, %arg3: memref<1x3200xi32, #tpu.memory_space<vmem>>, %arg4: memref<128x128xf32, #tpu.memory_space<vmem>>, %arg5: memref<1x128xf32, #tpu.memory_space<vmem>>, %arg6: memref<128x128xf32, #tpu.memory_space<vmem>>, %arg7: memref<1x128xf32, #tpu.memory_space<vmem>>, %arg8: memref<128x128xf32, #tpu.memory_space<vmem>>, %arg9: memref<1x128xf32, #tpu.memory_space<vmem>>, %arg10: memref<128x128xf32, #tpu.memory_space<vmem>>, %arg11: memref<1x128xf32, #tpu.memory_space<vmem>>, %arg12: memref<128x256xf32, #tpu.memory_space<vmem>>, %arg13: memref<1x256xf32, #tpu.memory_space<vmem>>, %arg14: memref<256x10xf32, #tpu.memory_space<vmem>>, %arg15: memref<1x10xf32, #tpu.memory_space<vmem>>, %arg16: memref<64x10xf32, #tpu.memory_space<vmem>>) attributes {dimension_semantics = [], scalar_prefetch = 0 : i64, scratch_operands = 0 : i64, tpu.core_type = #tpu.core_type<tc>} {
    %get3A = arith.constant 0 : index
    %get3A_0 = arith.constant 0 : index
    %get3A_1 = arith.constant 0 : index
    %get3A_2 = vector.load %arg0[%get3A, %get3A_0, %get3A_1] : memref<2x3200x128xf32, #tpu.memory_space<vmem>>, vector<1x3200x128xf32>
    %get3A_3 = vector.shape_cast %get3A_2 : vector<1x3200x128xf32> to vector<3200x128xf32>
    %get3A_4 = arith.constant 1 : index
    %get3A_5 = arith.constant 0 : index
    %get3A_6 = arith.constant 0 : index
    %get3A_7 = vector.load %arg0[%get3A_4, %get3A_5, %get3A_6] : memref<2x3200x128xf32, #tpu.memory_space<vmem>>, vector<1x3200x128xf32>
    %get3A_8 = vector.shape_cast %get3A_7 : vector<1x3200x128xf32> to vector<3200x128xf32>
    %add3A = arith.addf %get3A_3, %get3A_8 : vector<3200x128xf32>
    %get3A_9 = arith.constant 0 : index
    %get3A_10 = arith.constant 0 : index
    %get3A_11 = arith.constant 0 : index
    %get3A_12 = vector.load %arg1[%get3A_9, %get3A_10, %get3A_11] : memref<2x3200x1xf32, #tpu.memory_space<vmem>>, vector<1x3200x1xf32>
    %get3A_13 = vector.shape_cast %get3A_12 : vector<1x3200x1xf32> to vector<3200x1xf32>
    %get3A_14 = arith.constant 1 : index
    %get3A_15 = arith.constant 0 : index
    %get3A_16 = arith.constant 0 : index
    %get3A_17 = vector.load %arg1[%get3A_14, %get3A_15, %get3A_16] : memref<2x3200x1xf32, #tpu.memory_space<vmem>>, vector<1x3200x1xf32>
    %get3A_18 = vector.shape_cast %get3A_17 : vector<1x3200x1xf32> to vector<3200x1xf32>
    %add3A_19 = arith.addf %get3A_13, %get3A_18 : vector<3200x1xf32>
    %max3A = arith.constant 1.000000e+00 : f32
    %max3A_20 = vector.broadcast %max3A : f32 to vector<3200x1xf32>
    %max3A_21 = arith.maximumf %add3A_19, %max3A_20 : vector<3200x1xf32>
    %div3A = vector.broadcast %max3A_21 : vector<3200x1xf32> to vector<3200x128xf32>
    %div3A_22 = arith.divf %add3A, %div3A : vector<3200x128xf32>
    %get3A_23 = arith.constant 0 : index
    %get3A_24 = arith.constant 0 : index
    %get3A_25 = vector.load %arg2[%get3A_23, %get3A_24] : memref<3200x1xi32, #tpu.memory_space<vmem>>, vector<3200x1xi32>
    %get3A_26 = arith.constant 0 : index
    %get3A_27 = arith.constant 0 : index
    %get3A_28 = vector.load %arg3[%get3A_26, %get3A_27] : memref<1x3200xi32, #tpu.memory_space<vmem>>, vector<1x3200xi32>
    %iota3A = tpu.iota {dimensions = array<i32: 1>} : vector<3200x64xi32>
    %eq3A = vector.broadcast %get3A_25 : vector<3200x1xi32> to vector<3200x64xi32>
    %eq3A_29 = arith.cmpi eq, %eq3A, %iota3A : vector<3200x64xi32>
    %convert_element_type3A = arith.extui %eq3A_29 : vector<3200x64xi1> to vector<3200x64xi32>
    %convert_element_type3A_30 = arith.sitofp %convert_element_type3A : vector<3200x64xi32> to vector<3200x64xf32>
    %iota3A_31 = tpu.iota {dimensions = array<i32: 0>} : vector<64x3200xi32>
    %eq3A_32 = vector.broadcast %get3A_28 : vector<1x3200xi32> to vector<64x3200xi32>
    %eq3A_33 = arith.cmpi eq, %iota3A_31, %eq3A_32 : vector<64x3200xi32>
    %convert_element_type3A_34 = arith.extui %eq3A_33 : vector<64x3200xi1> to vector<64x3200xi32>
    %convert_element_type3A_35 = arith.sitofp %convert_element_type3A_34 : vector<64x3200xi32> to vector<64x3200xf32>
    %broadcast_in_dim3A = arith.constant 1.000000e+00 : f32
    %broadcast_in_dim3A_36 = vector.broadcast %broadcast_in_dim3A : f32 to vector<3200x1xf32>
    %dot_general3A = arith.constant dense<0.000000e+00> : vector<64x1xf32>
    %dot_general3A_37 = tpu.matmul %convert_element_type3A_35, %broadcast_in_dim3A_36, %dot_general3A {dimension_numbers = #tpu.dot_dimension_numbers<[1], [0], [0], [1], [0, 0, 1, 1], [], []>, transpose_lhs_hint = false} : vector<64x3200xf32>, vector<3200x1xf32>, vector<64x1xf32> -> vector<64x1xf32>
    %max3A_38 = arith.constant 1.000000e+00 : f32
    %max3A_39 = vector.broadcast %max3A_38 : f32 to vector<64x1xf32>
    %max3A_40 = arith.maximumf %dot_general3A_37, %max3A_39 : vector<64x1xf32>
    %div3A_41 = arith.constant 1.000000e+00 : f32
    %div3A_42 = vector.broadcast %div3A_41 : f32 to vector<64x1xf32>
    %div3A_43 = arith.divf %div3A_42, %max3A_40 : vector<64x1xf32>
    %get3A_44 = arith.constant 0 : index
    %get3A_45 = arith.constant 0 : index
    %get3A_46 = vector.load %arg4[%get3A_44, %get3A_45] : memref<128x128xf32, #tpu.memory_space<vmem>>, vector<128x128xf32>
    %dot_general3A_47 = arith.constant dense<0.000000e+00> : vector<3200x128xf32>
    %dot_general3A_48 = tpu.matmul %div3A_22, %get3A_46, %dot_general3A_47 {dimension_numbers = #tpu.dot_dimension_numbers<[1], [0], [0], [1], [0, 0, 1, 1], [], []>, transpose_lhs_hint = false} : vector<3200x128xf32>, vector<128x128xf32>, vector<3200x128xf32> -> vector<3200x128xf32>
    %get3A_49 = arith.constant 0 : index
    %get3A_50 = arith.constant 0 : index
    %get3A_51 = vector.load %arg5[%get3A_49, %get3A_50] : memref<1x128xf32, #tpu.memory_space<vmem>>, vector<1x128xf32>
    %add3A_52 = vector.broadcast %get3A_51 : vector<1x128xf32> to vector<3200x128xf32>
    %add3A_53 = arith.addf %dot_general3A_48, %add3A_52 : vector<3200x128xf32>
    %dot_general3A_54 = arith.constant dense<0.000000e+00> : vector<64x128xf32>
    %dot_general3A_55 = tpu.matmul %convert_element_type3A_35, %div3A_22, %dot_general3A_54 {dimension_numbers = #tpu.dot_dimension_numbers<[1], [0], [0], [1], [0, 0, 1, 1], [], []>, transpose_lhs_hint = false} : vector<64x3200xf32>, vector<3200x128xf32>, vector<64x128xf32> -> vector<64x128xf32>
    %mul3A = vector.broadcast %div3A_43 : vector<64x1xf32> to vector<64x128xf32>
    %mul3A_56 = arith.mulf %dot_general3A_55, %mul3A : vector<64x128xf32>
    %get3A_57 = arith.constant 0 : index
    %get3A_58 = arith.constant 0 : index
    %get3A_59 = vector.load %arg6[%get3A_57, %get3A_58] : memref<128x128xf32, #tpu.memory_space<vmem>>, vector<128x128xf32>
    %dot_general3A_60 = arith.constant dense<0.000000e+00> : vector<64x128xf32>
    %dot_general3A_61 = tpu.matmul %mul3A_56, %get3A_59, %dot_general3A_60 {dimension_numbers = #tpu.dot_dimension_numbers<[1], [0], [0], [1], [0, 0, 1, 1], [], []>, transpose_lhs_hint = false} : vector<64x128xf32>, vector<128x128xf32>, vector<64x128xf32> -> vector<64x128xf32>
    %get3A_62 = arith.constant 0 : index
    %get3A_63 = arith.constant 0 : index
    %get3A_64 = vector.load %arg7[%get3A_62, %get3A_63] : memref<1x128xf32, #tpu.memory_space<vmem>>, vector<1x128xf32>
    %add3A_65 = vector.broadcast %get3A_64 : vector<1x128xf32> to vector<64x128xf32>
    %add3A_66 = arith.addf %dot_general3A_61, %add3A_65 : vector<64x128xf32>
    %dot_general3A_67 = arith.constant dense<0.000000e+00> : vector<3200x128xf32>
    %dot_general3A_68 = tpu.matmul %convert_element_type3A_30, %add3A_66, %dot_general3A_67 {dimension_numbers = #tpu.dot_dimension_numbers<[1], [0], [0], [1], [0, 0, 1, 1], [], []>, transpose_lhs_hint = false} : vector<3200x64xf32>, vector<64x128xf32>, vector<3200x128xf32> -> vector<3200x128xf32>
    %add3A_69 = arith.addf %add3A_53, %dot_general3A_68 : vector<3200x128xf32>
    %gt3A = arith.constant 0.000000e+00 : f32
    %gt3A_70 = vector.broadcast %gt3A : f32 to vector<3200x128xf32>
    %gt3A_71 = arith.cmpf ogt, %add3A_69, %gt3A_70 : vector<3200x128xf32>
    %min3A = arith.constant 0.000000e+00 : f32
    %min3A_72 = vector.broadcast %min3A : f32 to vector<3200x128xf32>
    %min3A_73 = arith.minimumf %add3A_69, %min3A_72 : vector<3200x128xf32>
    %exp3A = math.exp %min3A_73 : vector<3200x128xf32>
    %sub3A = arith.constant 1.000000e+00 : f32
    %sub3A_74 = vector.broadcast %sub3A : f32 to vector<3200x128xf32>
    %sub3A_75 = arith.subf %exp3A, %sub3A_74 : vector<3200x128xf32>
    %select_n3A = arith.select %gt3A_71, %add3A_69, %sub3A_75 : vector<3200x128xi1>, vector<3200x128xf32>
    %get3A_76 = arith.constant 0 : index
    %get3A_77 = arith.constant 0 : index
    %get3A_78 = vector.load %arg8[%get3A_76, %get3A_77] : memref<128x128xf32, #tpu.memory_space<vmem>>, vector<128x128xf32>
    %dot_general3A_79 = arith.constant dense<0.000000e+00> : vector<3200x128xf32>
    %dot_general3A_80 = tpu.matmul %select_n3A, %get3A_78, %dot_general3A_79 {dimension_numbers = #tpu.dot_dimension_numbers<[1], [0], [0], [1], [0, 0, 1, 1], [], []>, transpose_lhs_hint = false} : vector<3200x128xf32>, vector<128x128xf32>, vector<3200x128xf32> -> vector<3200x128xf32>
    %get3A_81 = arith.constant 0 : index
    %get3A_82 = arith.constant 0 : index
    %get3A_83 = vector.load %arg9[%get3A_81, %get3A_82] : memref<1x128xf32, #tpu.memory_space<vmem>>, vector<1x128xf32>
    %add3A_84 = vector.broadcast %get3A_83 : vector<1x128xf32> to vector<3200x128xf32>
    %add3A_85 = arith.addf %dot_general3A_80, %add3A_84 : vector<3200x128xf32>
    %dot_general3A_86 = arith.constant dense<0.000000e+00> : vector<64x128xf32>
    %dot_general3A_87 = tpu.matmul %convert_element_type3A_35, %select_n3A, %dot_general3A_86 {dimension_numbers = #tpu.dot_dimension_numbers<[1], [0], [0], [1], [0, 0, 1, 1], [], []>, transpose_lhs_hint = false} : vector<64x3200xf32>, vector<3200x128xf32>, vector<64x128xf32> -> vector<64x128xf32>
    %mul3A_88 = vector.broadcast %div3A_43 : vector<64x1xf32> to vector<64x128xf32>
    %mul3A_89 = arith.mulf %dot_general3A_87, %mul3A_88 : vector<64x128xf32>
    %get3A_90 = arith.constant 0 : index
    %get3A_91 = arith.constant 0 : index
    %get3A_92 = vector.load %arg10[%get3A_90, %get3A_91] : memref<128x128xf32, #tpu.memory_space<vmem>>, vector<128x128xf32>
    %dot_general3A_93 = arith.constant dense<0.000000e+00> : vector<64x128xf32>
    %dot_general3A_94 = tpu.matmul %mul3A_89, %get3A_92, %dot_general3A_93 {dimension_numbers = #tpu.dot_dimension_numbers<[1], [0], [0], [1], [0, 0, 1, 1], [], []>, transpose_lhs_hint = false} : vector<64x128xf32>, vector<128x128xf32>, vector<64x128xf32> -> vector<64x128xf32>
    %get3A_95 = arith.constant 0 : index
    %get3A_96 = arith.constant 0 : index
    %get3A_97 = vector.load %arg11[%get3A_95, %get3A_96] : memref<1x128xf32, #tpu.memory_space<vmem>>, vector<1x128xf32>
    %add3A_98 = vector.broadcast %get3A_97 : vector<1x128xf32> to vector<64x128xf32>
    %add3A_99 = arith.addf %dot_general3A_94, %add3A_98 : vector<64x128xf32>
    %dot_general3A_100 = arith.constant dense<0.000000e+00> : vector<3200x128xf32>
    %dot_general3A_101 = tpu.matmul %convert_element_type3A_30, %add3A_99, %dot_general3A_100 {dimension_numbers = #tpu.dot_dimension_numbers<[1], [0], [0], [1], [0, 0, 1, 1], [], []>, transpose_lhs_hint = false} : vector<3200x64xf32>, vector<64x128xf32>, vector<3200x128xf32> -> vector<3200x128xf32>
    %add3A_102 = arith.addf %add3A_85, %dot_general3A_101 : vector<3200x128xf32>
    %gt3A_103 = arith.constant 0.000000e+00 : f32
    %gt3A_104 = vector.broadcast %gt3A_103 : f32 to vector<3200x128xf32>
    %gt3A_105 = arith.cmpf ogt, %add3A_102, %gt3A_104 : vector<3200x128xf32>
    %min3A_106 = arith.constant 0.000000e+00 : f32
    %min3A_107 = vector.broadcast %min3A_106 : f32 to vector<3200x128xf32>
    %min3A_108 = arith.minimumf %add3A_102, %min3A_107 : vector<3200x128xf32>
    %exp3A_109 = math.exp %min3A_108 : vector<3200x128xf32>
    %sub3A_110 = arith.constant 1.000000e+00 : f32
    %sub3A_111 = vector.broadcast %sub3A_110 : f32 to vector<3200x128xf32>
    %sub3A_112 = arith.subf %exp3A_109, %sub3A_111 : vector<3200x128xf32>
    %select_n3A_113 = arith.select %gt3A_105, %add3A_102, %sub3A_112 : vector<3200x128xi1>, vector<3200x128xf32>
    %dot_general3A_114 = arith.constant dense<0.000000e+00> : vector<64x128xf32>
    %dot_general3A_115 = tpu.matmul %convert_element_type3A_35, %select_n3A_113, %dot_general3A_114 {dimension_numbers = #tpu.dot_dimension_numbers<[1], [0], [0], [1], [0, 0, 1, 1], [], []>, transpose_lhs_hint = false} : vector<64x3200xf32>, vector<3200x128xf32>, vector<64x128xf32> -> vector<64x128xf32>
    %mul3A_116 = vector.broadcast %div3A_43 : vector<64x1xf32> to vector<64x128xf32>
    %mul3A_117 = arith.mulf %dot_general3A_115, %mul3A_116 : vector<64x128xf32>
    %get3A_118 = arith.constant 0 : index
    %get3A_119 = arith.constant 0 : index
    %get3A_120 = vector.load %arg12[%get3A_118, %get3A_119] : memref<128x256xf32, #tpu.memory_space<vmem>>, vector<128x256xf32>
    %dot_general3A_121 = arith.constant dense<0.000000e+00> : vector<64x256xf32>
    %dot_general3A_122 = tpu.matmul %mul3A_117, %get3A_120, %dot_general3A_121 {dimension_numbers = #tpu.dot_dimension_numbers<[1], [0], [0], [1], [0, 0, 1, 1], [], []>, transpose_lhs_hint = false} : vector<64x128xf32>, vector<128x256xf32>, vector<64x256xf32> -> vector<64x256xf32>
    %get3A_123 = arith.constant 0 : index
    %get3A_124 = arith.constant 0 : index
    %get3A_125 = vector.load %arg13[%get3A_123, %get3A_124] : memref<1x256xf32, #tpu.memory_space<vmem>>, vector<1x256xf32>
    %add3A_126 = vector.broadcast %get3A_125 : vector<1x256xf32> to vector<64x256xf32>
    %add3A_127 = arith.addf %dot_general3A_122, %add3A_126 : vector<64x256xf32>
    %max3A_128 = arith.constant 0.000000e+00 : f32
    %max3A_129 = vector.broadcast %max3A_128 : f32 to vector<64x256xf32>
    %max3A_130 = arith.maximumf %add3A_127, %max3A_129 : vector<64x256xf32>
    %get3A_131 = arith.constant 0 : index
    %get3A_132 = arith.constant 0 : index
    %get3A_133 = vector.load %arg14[%get3A_131, %get3A_132] : memref<256x10xf32, #tpu.memory_space<vmem>>, vector<256x10xf32>
    %dot_general3A_134 = arith.constant dense<0.000000e+00> : vector<64x10xf32>
    %dot_general3A_135 = tpu.matmul %max3A_130, %get3A_133, %dot_general3A_134 {dimension_numbers = #tpu.dot_dimension_numbers<[1], [0], [0], [1], [0, 0, 1, 1], [], []>, transpose_lhs_hint = false} : vector<64x256xf32>, vector<256x10xf32>, vector<64x10xf32> -> vector<64x10xf32>
    %get3A_136 = arith.constant 0 : index
    %get3A_137 = arith.constant 0 : index
    %get3A_138 = vector.load %arg15[%get3A_136, %get3A_137] : memref<1x10xf32, #tpu.memory_space<vmem>>, vector<1x10xf32>
    %add3A_139 = vector.broadcast %get3A_138 : vector<1x10xf32> to vector<64x10xf32>
    %add3A_140 = arith.addf %dot_general3A_135, %add3A_139 : vector<64x10xf32>
    %swap3A = arith.constant 0 : index
    %swap3A_141 = arith.constant 0 : index
    %swap3A_142 = vector.load %arg16[%swap3A, %swap3A_141] : memref<64x10xf32, #tpu.memory_space<vmem>>, vector<64x10xf32>
    tpu.vector_store %arg16[%swap3A, %swap3A_141], %add3A_140 {strides = array<i32>} : memref<64x10xf32, #tpu.memory_space<vmem>>, vector<64x10xf32>,
    return
  }
}

</mosaic_0001>

<sc_bundles>
// kernel: kernel.4.cloned.1.call-start
scs
__scs_entry_jumppad:
0x0: {  	(pc) =	sbr.rel $0x88, $3  }
0x1: {  	(tag) =	ssettag $0x0;
	lr =	simm.s32 $0x1  }
0x2: {  	[smem:$0x3F92] =	sst lr;
	_ =	strace $0xD0000000  }
0x3: {  	_ = 	snop  }
0x4: {  	_ = 	snop  }
0x5: {  	_ = 	snop  }
0x6: {  	_ = 	snop  }
0x7: {  	_ = 	snop  }
__scs_overlays_trampoline_lowered:
0x8: {  	[smem:$0x3FA1] =	sst s0  }
0x9: {  	[smem:$0x3FA2] =	sst s1  }
0xa: {  	[smem:$0x3FA3] =	sst s2  }
0xb: {  	[smem:$0x3FA4] =	sst s3  }
0xc: {  	[smem:$0x3FA5] =	sst s4  }
0xd: {  	[smem:$0x3FA6] =	sst s5  }
0xe: {  	[smem:$0x3FA7] =	sst s6  }
0xf: {  	[smem:$0x3FA8] =	sst s7  }
0x10: {  	[smem:$0x3FA9] =	sst s8  }
0x11: {  	[smem:$0x3FAA] =	sst s9;
	s0 =	simm.s32 @!p0 $0x0  }
0x12: {  	s1 =	sld [smem:$0x3F90];
	s0 =	simm.s32 @p0 $0x1  }
0x13: {  	[smem:$0x3FAB] =	sst s0;
	s0 =	simm.s32 @!p1 $0x0  }
0x14: {  	s2 =	sld [smem:$0x3F8F];
	s0 =	simm.s32 @p1 $0x1  }
0x15: {  	[smem:$0x3FAC] =	sst s0;
	s0 =	simm.s32 @!p2 $0x0  }
0x16: {  	s3 =	sld [smem:$0x3FDB];
	s0 =	simm.s32 @p2 $0x1  }
0x17: {  	s4 =	simm.s32 $0x1BF5;
	[smem:$0x3FAE] =	sst s0  }
0x18: {  	s0 =	sld [smem:$0x3F91];
	_ =	swait.ge [sflag:s4], $0x0  }
0x19: {  	s7 =	sld [smem:$0x3F92]  }
0x1a: {  	s8 =	sadd.s32 $0xFFFFE003, lr  }
0x1b: {  	s9 =	sadd.s32 $0xFFFFFEF7, lr;
	s5 =	simm.s32 $0xFFFFFFFF;
	p2 =	slt.u32 s8, $0xFFFFF086  }
0x1c: {  	p1 =	slt.u32 s9, $0xF7A;
	s5 =	simm.s32 @!p2 $0x0  }
0x1d: {  	s5 =	simm.s32 @p1 $0x1;
	p0 =	seq.s32 s7, s2  }
0x1e: {  	s7 =	smul.u32 @!p0 $0xF7A, s2;
	p2 =	seq.s32 @!p0 s5, $0x0  }
0x1f: {  	s9 =	smul.u32 $0xF7A, s1;
	s8 =	simm.s32 @!p0 $0x1BF5;
	p2 =	por !p2, p0  }
0x20: {  	[sflag:s8] =	ssyncset.s32 @!p0 $0xFFFFF086;
	s6 =	sadd.s32 @!p0 s3, s7;
	s7 =	simm.s32 @!p0 $0x108  }
0x21: {  	s3 =	sadd.s32 s3, s9;
	s6 =	sadd.s32 @!p0 $0x88, s6;
	s7 =	simm.s32 @p2 $0x1082  }
0x22: {  	[simem:s7], [sflag:s8] =	dma.local @!p0 [hbm:s6], $0xF7A  }
0x23: {  	s9 =	sor.u32 $0xD0000000, s2;
	s6 =	simm.s32 $0x108;
	_ =	swait.ge @!p0 [sflag:s8], $0x0  }
0x24: {  	s3 =	sadd.s32 $0x88, s3;
	s6 =	simm.s32 @!p1 $0x1082;
	[sflag:s4] =	ssyncset.s32 $0xFFFFF086  }
0x25: {  	[simem:s6], [sflag:s4] =	dma.local [hbm:s3], $0xF7A  }
0x26: {  	[smem:$0x3F92] =	sst s1;
	(tag) =	ssettag s2;
	_ =	strace s9  }
0x27: {  	s1 =	sld [smem:$0x3FA2]  }
0x28: {  	s2 =	sld [smem:$0x3FA3]  }
0x29: {  	s4 =	sld [smem:$0x3FA5]  }
0x2a: {  	p0 =	seq.s32 s5, $0x0;
	s5 =	sld [smem:$0x3FA6]  }
0x2b: {  	s6 =	sld [smem:$0x3FA7]  }
0x2c: {  	s7 =	sld [smem:$0x3FA8]  }
0x2d: {  	s3 =	simm.s32 $0x108;
	s8 =	sld [smem:$0x3FA9]  }
0x2e: {  	s3 =	simm.s32 @!p0 $0x1082;
	s9 =	sld [smem:$0x3FAA]  }
0x2f: {  	lr =	sadd.s32 s0, s3;
	s0 =	sld [smem:$0x3FA1]  }
0x30: {  	s3 =	sld [smem:$0x3FA4]  }
0x31: {  	[smem:$0x3FAD] =	sst s10  }
0x32: {  	s10 =	sld [smem:$0x3FAB];
	_ =	sdelay $0x3  }
0x33: {  	p0 =	seq.s32 s10, $0x1;
	s10 =	sld [smem:$0x3FAD];
	_ =	sdelay $0x3  }
0x34: {  	[smem:$0x3FAD] =	sst s10  }
0x35: {  	s10 =	sld [smem:$0x3FAC];
	_ =	sdelay $0x3  }
0x36: {  	p1 =	seq.s32 s10, $0x1;
	s10 =	sld [smem:$0x3FAD];
	_ =	sdelay $0x3  }
0x37: {  	[smem:$0x3FAD] =	sst s10  }
0x38: {  	s10 =	sld [smem:$0x3FAE]  }
0x39: {  	_ = 	snop;
	(pc) =	sbr.ind lr, $3  }
0x3a: {  	_ = 	snop  }
0x3b: {  	_ = 	snop  }
0x3c: {  	p2 =	seq.s32 s10, $0x1;
	s10 =	sld [smem:$0x3FAD]  }
0x3d: {  	_ =	shalt  }
0x3e: {  	_ =	shalt  }
0x3f: {  	_ =	shalt  }
0x40: {  	_ =	shalt  }
0x41: {  	_ =	shalt  }
0x42: {  	_ =	shalt  }
0x43: {  	_ =	shalt  }
0x44: {  	_ =	shalt  }
0x45: {  	_ =	shalt  }
0x46: {  	_ =	shalt  }
0x47: {  	_ =	shalt  }
0x48: {  	_ =	shalt  }
0x49: {  	_ =	shalt  }
0x4a: {  	_ =	shalt  }
0x4b: {  	_ =	shalt  }
0x4c: {  	_ =	shalt  }
0x4d: {  	_ =	shalt  }
0x4e: {  	_ =	shalt  }
0x4f: {  	_ =	shalt  }
0x50: {  	_ =	shalt  }
0x51: {  	_ =	shalt  }
0x52: {  	_ =	shalt  }
0x53: {  	_ =	shalt  }
0x54: {  	_ =	shalt  }
0x55: {  	_ =	shalt  }
0x56: {  	_ =	shalt  }
0x57: {  	_ =	shalt  }
0x58: {  	_ =	shalt  }
0x59: {  	_ =	shalt  }
0x5a: {  	_ =	shalt  }
0x5b: {  	_ =	shalt  }
0x5c: {  	_ =	shalt  }
0x5d: {  	_ =	shalt  }
0x5e: {  	_ =	shalt  }
0x5f: {  	_ =	shalt  }
0x60: {  	_ =	shalt  }
0x61: {  	_ =	shalt  }
0x62: {  	_ =	shalt  }
0x63: {  	_ =	shalt  }
0x64: {  	_ =	shalt  }
0x65: {  	_ =	shalt  }
0x66: {  	_ =	shalt  }
0x67: {  	_ =	shalt  }
0x68: {  	_ =	shalt  }
0x69: {  	_ =	shalt  }
0x6a: {  	_ =	shalt  }
0x6b: {  	_ =	shalt  }
0x6c: {  	_ =	shalt  }
0x6d: {  	_ =	shalt  }
0x6e: {  	_ =	shalt  }
0x6f: {  	_ =	shalt  }
0x70: {  	_ =	shalt  }
0x71: {  	_ =	shalt  }
0x72: {  	_ =	shalt  }
0x73: {  	_ =	shalt  }
0x74: {  	_ =	shalt  }
0x75: {  	_ =	shalt  }
0x76: {  	_ =	shalt  }
0x77: {  	_ =	shalt  }
0x78: {  	_ =	shalt  }
0x79: {  	_ =	shalt  }
0x7a: {  	_ =	shalt  }
0x7b: {  	_ =	shalt  }
0x7c: {  	_ =	shalt  }
0x7d: {  	_ =	shalt  }
0x7e: {  	_ =	shalt  }
0x7f: {  	_ =	shalt  }
0x80: {  	_ =	shalt  }
0x81: {  	_ =	shalt  }
0x82: {  	_ =	shalt  }
0x83: {  	_ =	shalt  }
0x84: {  	_ =	shalt  }
0x85: {  	_ =	shalt  }
0x86: {  	_ =	shalt  }
0x87: {  	_ =	shalt  }
.Lfunc_end0:
.L_simem_size_0:
called_computation_lowered:
.L_overlay_start_0:
0x88: {  	s2 =	sld [smem:$0x3FD9]  }
0x89: {  	s3 =	sld [smem:$0x3FFE];
	_ =	sdelay $0x1  }
0x8a: {  	s1 =	srdreg.scid  }
0x8b: {  	s0 =	sand.u32 $0x1, s1  }
0x8c: {  	s17 =	sshll.u32 s0, $0xA;
	s2 =	sadd.s32 s3, s2  }
0x8d: {  	s2 =	sadd.s32 s2, s17  }
0x8e: {  	[smem:$0x3FB9] =	sst s2  }
0x8f: {  	_ = 	snop  }
0x90: {  	s2 =	sld [smem:$0x3FC9];
	(tm) =	ssettm $0x1  }
0x91: {  	s18 =	sld [smem:$0x3FFB];
	_ =	sdelay $0x3  }
0x92: {  	_ =	strace s18  }
0x93: {  	s3 =	sld [smem:$0x3FFC];
	_ =	sdelay $0x3  }
0x94: {  	_ =	strace s3  }
0x95: {  	s3 =	sld [smem:$0x3FFD];
	_ =	sdelay $0x3  }
0x96: {  	_ =	strace s3  }
0x97: {  	_ =	strace $0x8FFFFFFF  }
0x98: {  	s19 =	sld [smem:$0x3FDB];
	_ =	sdelay $0x1  }
0x99: {  	s4 =	simm.s32 $_scs_section_size  }
0x9a: {  	s5 =	simm.s32 $_size__tile_overlayer_lowered;
	s6 =	simm.s32 $_tile_overlayer_lowered  }
0x9b: {  	s22 =	simm.s32 $0x1BFF;
	s21 =	sshll.u32 s6, $0x1;
	s3 =	sadd.s32 s4, s19  }
0x9c: {  	s7 =	simm.s32 $0x0;
	s20 =	sshll.u32 s5, $0x1;
	s5 =	sadd.s32 s21, s3  }
0x9d: {  	[timem:s7], [sflag:s22] =	dma.local [hbm:s5], s20  }
0x9e: {  	_ =	swait.ge [sflag:s22], s20  }
0x9f: {  	s4 =	ssub.s32 $0x0, s20;
	[sflag:s22] =	ssyncset.done $0x0  }
0xa0: {  	[sflag:s22] =	ssyncadd.s32 s4;
	_ =	sdelay $0x1  }
0xa1: {  	s23 =	simm.s32 $0x1B8B  }
0xa2: {  	_ =	swait.ge [sflag:s23], $0x1  }
0xa3: {  	[sflag:s23] =	ssyncset.done $0x0  }
0xa4: {  	s25 =	simm.s32 $0x1B8E;
	s24 =	sld [smem:$0x3FFE];
	[sflag:s23] =	ssyncadd.s32 $0xFFFFFFFF  }
0xa5: {  	s26 =	simm.s32 $execute0_lowered;
	[smem:$0x3FD2] =	sst s25  }
0xa6: {  	s5 =	sshll.u32 s26, $0x1;
	_ =	strace $0x80000046;
	[dreg:$0x1] =	wrdreg $0xFFFFFFFF  }
0xa7: {  	s28 =	simm.s32 $_size_execute0_lowered;
	s3 =	sadd.s32 s3, s5;
	[dreg:$0x0] =	wrdreg $0x0  }
0xa8: {  	s5 =	sshll.u32 s28, $0x1;
	[dreg:$0x2] =	wrdreg s3  }
0xa9: {  	[dreg:$0x3] =	wrdreg s5  }
0xaa: {  	[dreg:$0x4] =	wrdreg $0xC0  }
0xab: {  	_ =	task [dreg:s7], $0x5FFFF  }
0xac: {  	[dreg:$0x1] =	wrdreg $0xFFFFFFFF  }
0xad: {  	[dreg:$0x0] =	wrdreg $0x60  }
0xae: {  	[dreg:$0x2] =	wrdreg s2  }
0xaf: {  	[dreg:$0x3] =	wrdreg s24  }
0xb0: {  	[dreg:$0x4] =	wrdreg $0x131800  }
0xb1: {  	[dreg:$0x5] =	wrdreg $0x195800  }
0xb2: {  	[dreg:$0x6] =	wrdreg $0x9  }
0xb3: {  	_ =	task.clear_ibuf [dreg:s7], $0x7FFFF;
	_ =	strace $0x90000046  }
0xb4: {  	s29 =	simm.s32 $0x9;
	_ =	strace $0x80000048  }
0xb5: {  	_ =	swait.ge [sflag:s29], $0x1  }
0xb6: {  	[sflag:s29] =	ssyncadd.s32 $0xFFFFFFFF  }
0xb7: {  	_ =	strace $0x90000048  }
0xb8: {  	_ =	sfence  }
0xb9: {  	s30 =	sld [smem:$0x0];
	_ =	sdelay $0x2  }
0xba: {  	s31 =	sshll.u32 s1, $0xD;
	s1 =	sshrl.u32 s1, $0x2  }
0xbb: {  	s3 =	sand.u32 $0x4000, s31;
	s1 =	sadd.s32 s1, s30  }
0xbc: {  	s0 =	sor.u32 s3, s0;
	s1 =	sshll.u32 s1, $0x11  }
0xbd: {  	s0 =	sor.u32 s1, s0  }
0xbe: {  	s0 =	sadd.s32 $0x8F2B, s0  }
0xbf: {  	[sflag:s0] =	ssyncadd.remote.s32 $0x1  }
0xc0: {  	_ =	sfence.sel $0xFFFF  }
0xc1: {  	[dreg:$0x0] =	wrdreg $0xFFFFFFFF;
	(pc) =	sbr.abs _section_cstart, $3  }
0xc2: {  	[dreg:$0x1] =	wrdreg $0xFFFFFFFF  }
0xc3: {  	_ =	task.clear_ibuf [dreg:s7], $0x2FFFF;
	_ =	strace $0x9FFFFFFF  }
0xc4: {  	(tm) =	ssettm $0x7FFFFFFF  }
0xc5: {  	_ =	shalt  }
tec
execute0_lowered:
.L_overlay_start_1:
0x0: {  	(tag) =	ssettag $0x1  }
0x1: {  	s0 =	rddreg [dreg:$0x0]  }
0x2: {  	s1 =	rddreg [dreg:$0x1]  }
0x3: {  	s3 =	rddreg [dreg:$0x2]  }
0x4: {  	s2 =	srdreg.scid;
	s14 =	stileid.u32  }
0x5: {  	s4 =	rddreg [dreg:$0x3];
	s5 =	simm.s32 $0x0;
	s8 =	smul.u32 $0x6400, s14  }
0x6: {  	s28 =	simm.s32 $0xB;
	s29 =	simm.s32 $0x1;
	s9 =	smul.u32 $0xC8, s14  }
0x7: {  	s30 =	simm.s32 $0x50;
	s2 =	sand.u32 $0x1, s2;
	s18 =	smul.u32 $0x19000, s14  }
0x8: {  	s31 =	simm.s32 $0x13000;
	[smem:$0x7FF] =	sst s5;
	s6 =	smul.u32 $0x64000, s2  }
0x9: {  	s7 =	sshll.u32 s2, $0x4;
	s11 =	smul.u32 $0xC80, s2;
	s2 =	ssub.s32 $0x2, s2  }
0xa: {  	_ =	strace $0x80000047;
	s7 =	sor.u32 s14, s7;
	s12 =	sshrl.u32 s2, $0x1  }
0xb: {  	s21 =	sshrl.u32 s18, $0x2;
	s18 =	simm.s32 $0x13080;
	s14 =	simm.s32 $0x0  }
0xc: {  	s10 =	sshll.u32 s7, $0xB;
	s6 =	sadd.s32 s8, s6;
	s13 =	smul.u32 $0x27100, s7  }
0xd: {  	s25 =	sadd.s32 s9, s11;
	s26 =	smul.u32 $0x138800, s7;
	s2 =	ssub.s32 s2, s12  }
0xe: {  	s7 =	smul.u32 $0x2710, s7;
	s10 =	sadd.s32 s10, s1;
	s13 =	sadd.s32 s0, s13  }
0xf: {  	s6 =	sshrl.u32 s6, $0x3;
	s19 =	sadd.s32 $0x2400, s10;
	[dreg:$0xa] =	wrdreg s13  }
0x10: {  	s8 =	sshrl.u32 s25, $0x3;
	s20 =	sadd.s32 $0x190, s7;
	[dreg:$0xf] =	wrdreg s19  }
0x11: {  	s6 =	sadd.s32 s6, s1;
	s22 =	sadd.s32 $0x1E0, s7;
	[dreg:$0x5] =	wrdreg s20  }
0x12: {  	s11 =	sshrl.u32 s26, $0x3;
	s23 =	sadd.s32 $0x230, s7;
	[dreg:$0x6] =	wrdreg s22  }
0x13: {  	s1 =	sadd.s32 s8, s1;
	s24 =	sadd.s32 $0x280, s7;
	[dreg:$0x7] =	wrdreg s23  }
0x14: {  	s7 =	sadd.s32 $0x2D0, s7;
	s26 =	smax.u32 s2, $0x1;
	[dreg:$0x8] =	wrdreg s24  }
0x15: {  	s2 =	simm.s32 $0x3;
	s12 =	sadd.s32 s0, s11;
	[dreg:$0x9] =	wrdreg s7  }
0x16: {  	s6 =	sadd.s32 $0x12800, s6;
	s1 =	sadd.s32 $0x12400, s1;
	[dreg:$0x14] =	wrdreg s26  }
0x17: {  	s19 =	simm.s32 $0x4000;
	s20 =	simm.s32 $0x6800;
	s22 =	simm.s32 $0xB800  }
0x18: {  	s23 =	simm.s32 $0xE000;
	s7 =	simm.s32 $0x4;
	[dreg:$0x12] =	wrdreg s6  }
0x19: {  	s11 =	simm.s32 $0x9;
	s15 =	sadd.s32 $0x500, s12;
	[dreg:$0x13] =	wrdreg s1  }
0x1a: {  	s13 =	simm.s32 $0xA;
	s16 =	sadd.s32 $0xA00, s12;
	[dreg:$0xb] =	wrdreg s15  }
0x1b: {  	s17 =	sadd.s32 $0xF00, s12;
	s8 =	sadd.s32 $0x1400, s12;
	[dreg:$0xc] =	wrdreg s16  }
0x1c: {  	s12 =	sadd.s32 s21, s3;
	s21 =	simm.s32 $0x9000;
	[dreg:$0xd] =	wrdreg s17  }
0x1d: {  	s1 =	simm.s32 $0x2;
	s6 =	simm.s32 $0x6;
	[dreg:$0xe] =	wrdreg s8  }
0x1e: {  	s10 =	sadd.s32 $0x2800, s12;
	s25 =	sadd.s32 $0x5000, s12;
	s15 =	sadd.s32 s9, s4  }
0x1f: {  	s8 =	simm.s32 $0x7;
	s9 =	simm.s32 $0x5;
	[dreg:$0x10] =	wrdreg s10  }
0x20: {  	v0 =	vimm.f32 $1.000000000e+00;
	v1 =	vimm.f32 $0.0e+00;
	[dreg:$0x11] =	wrdreg s25;
	s25 =	simm.s32 $0xC;
	s10 =	simm.s32 $0x8  }
.LBB2_1:
0x21: {  	s16 =	rddreg [dreg:$0xa]  }
0x22: {  	[tilespmem:s19], [sflag:$0x1] =	stream.linear.gather [hbm4b:s16+s5], $0x2800, $0x38;
	[tilespmem:$0x19648] =	vst v63  }
0x23: {  	s24 =	rddreg [dreg:$0xb]  }
0x24: {  	[tilespmem:s20], [sflag:$0x2] =	stream.linear.gather [hbm4b:s24+s5], $0x2800, $0x38;
	[tilespmem:$0x19648] =	vst v63  }
0x25: {  	s26 =	rddreg [dreg:$0xc]  }
0x26: {  	[tilespmem:s21], [sflag:$0x3] =	stream.linear.gather [hbm4b:s26+s5], $0x2800, $0x38;
	[tilespmem:$0x19648] =	vst v63  }
0x27: {  	s17 =	rddreg [dreg:$0xd]  }
0x28: {  	[tilespmem:s22], [sflag:$0x4] =	stream.linear.gather [hbm4b:s17+s5], $0x2800, $0x38;
	[tilespmem:$0x19648] =	vst v63  }
0x29: {  	s24 =	rddreg [dreg:$0xe]  }
0x2a: {  	[tilespmem:s23], [sflag:$0x5] =	stream.linear.gather [hbm4b:s24+s5], $0x2800, $0x38;
	[tilespmem:$0x19648] =	vst v63  }
0x2b: {  	s26 =	rddreg [dreg:$0xf]  }
0x2c: {  	[tilespmem:s5], [sflag:$0xB] =	stream.linear.gather [hbm4b:s26+s5], $0x3E80, $0x38;
	[tilespmem:$0x19648] =	vst v63  }
0x2d: {  	[tilespmem:$0x13000] =	vst v0  }
0x2e: {  	[tilespmem:$0x13010] =	vst v0  }
0x2f: {  	[tilespmem:$0x13020] =	vst v0  }
0x30: {  	[tilespmem:$0x13030] =	vst v0  }
0x31: {  	[tilespmem:$0x13040] =	vst v0  }
0x32: {  	[tilespmem:$0x13050] =	vst v0  }
0x33: {  	[tilespmem:$0x13060] =	vst v0  }
0x34: {  	[tilespmem:$0x13070] =	vst v0  }
0x35: {  	[tilespmem:$0x13080] =	vst v1  }
0x36: {  	[tilespmem:$0x13090] =	vst v1  }
0x37: {  	[tilespmem:$0x130A0] =	vst v1  }
0x38: {  	[tilespmem:$0x130B0] =	vst v1  }
0x39: {  	[tilespmem:$0x130C0] =	vst v1  }
0x3a: {  	[tilespmem:$0x130D0] =	vst v1  }
0x3b: {  	[tilespmem:$0x130E0] =	vst v1  }
0x3c: {  	[tilespmem:$0x130F0] =	vst v1  }
0x3d: {  	[tilespmem:$0x13100] =	vst v1  }
0x3e: {  	[tilespmem:$0x13110] =	vst v1  }
0x3f: {  	[tilespmem:$0x13120] =	vst v1  }
0x40: {  	[tilespmem:$0x13130] =	vst v1  }
0x41: {  	[tilespmem:$0x13140] =	vst v1  }
0x42: {  	[tilespmem:$0x13150] =	vst v1  }
0x43: {  	[tilespmem:$0x13160] =	vst v1  }
0x44: {  	s16 =	simm.s32 $0x0;
	s17 =	simm.s32 $0x200;
	[tilespmem:$0x13170] =	vst v1  }
.LBB2_2:
0x45: {  	p0 =	sne.s32 s17, $0x9E00;
	[tilespmem:s16+$0x10870] =	vst v1  }
0x46: {  	[tilespmem:s16+$0x10800] =	vst v1  }
0x47: {  	[tilespmem:s16+$0x10810] =	vst v1  }
.Ltmp0:
0x48: {  	[tilespmem:s16+$0x10820] =	vst v1;
	(pc) =	sbr.rel @p0 .LBB2_2-.Ltmp0, $4  }
0x49: {  	[tilespmem:s16+$0x10830] =	vst v1  }
0x4a: {  	[tilespmem:s16+$0x10840] =	vst v1  }
0x4b: {  	[tilespmem:s16+$0x10850] =	vst v1  }
0x4c: {  	[tilespmem:s16+$0x10860] =	vst v1;
	s16 =	sshra.s32 s17, $0x2;
	s17 =	sadd.s32 $0x200, s17  }
0x4d: {  	[tilespmem:s16+$0x10870] =	vst v1  }
0x4e: {  	[tilespmem:s16+$0x10800] =	vst v1  }
0x4f: {  	[tilespmem:s16+$0x10810] =	vst v1  }
0x50: {  	[tilespmem:s16+$0x10820] =	vst v1  }
0x51: {  	[tilespmem:s16+$0x10830] =	vst v1  }
0x52: {  	[tilespmem:s16+$0x10840] =	vst v1  }
0x53: {  	[tilespmem:s16+$0x10850] =	vst v1  }
0x54: {  	[tilespmem:s16+$0x10860] =	vst v1;
	s17 =	simm.s32 $0x10800  }
0x55: {  	[spmem:s12] =	stream.linear.scatter [tilespmem:s17], [sflag:$0xC], $0x2800, $0x38;
	[tilespmem:$0x19648] =	vst v63  }
0x56: {  	_ =	swait.ge [sflag:s25], $0x2800  }
0x57: {  	[sflag:s25] =	ssyncset.done $0x0  }
0x58: {  	s26 =	rddreg [dreg:$0x10];
	[sflag:s25] =	ssyncadd.s32 $0xFFFFD800  }
0x59: {  	[spmem:s26] =	stream.linear.scatter [tilespmem:s17], [sflag:$0xC], $0x2800, $0x38;
	[tilespmem:$0x19648] =	vst v63  }
0x5a: {  	_ =	swait.ge [sflag:s25], $0x2800  }
0x5b: {  	[sflag:s25] =	ssyncset.done $0x0  }
0x5c: {  	s24 =	rddreg [dreg:$0x11];
	[sflag:s25] =	ssyncadd.s32 $0xFFFFD800  }
0x5d: {  	[spmem:s24] =	stream.linear.scatter [tilespmem:s17], [sflag:$0xC], $0x1400, $0x38;
	[tilespmem:$0x19648] =	vst v63  }
0x5e: {  	_ =	swait.ge [sflag:s25], $0x1400  }
0x5f: {  	[sflag:s25] =	ssyncset.done $0x0  }
0x60: {  	[sflag:s25] =	ssyncadd.s32 $0xFFFFEC00  }
0x61: {  	[spmem:s15] =	stream.linear.scatter [tilespmem:s18], [sflag:$0xC], $0xC8, $0x38;
	[tilespmem:$0x19648] =	vst v63  }
0x62: {  	_ =	swait.ge [sflag:s25], $0xC8  }
0x63: {  	[sflag:s25] =	ssyncset.done $0x0  }
0x64: {  	[sflag:s25] =	ssyncadd.s32 $0xFFFFFF38  }
0x65: {  	[bflag:$0x0] =	sbarrier.arrive $0xFFFF  }
0x66: {  	_ =	swait.ge [sflag:s28], $0x3E80  }
0x67: {  	[sflag:s28] =	ssyncset.done $0x0  }
0x68: {  	[sflag:s28] =	ssyncadd.s32 $0xFFFFC180  }
0x69: {  	_ =	swait.ge [sflag:s29], $0x2800  }
0x6a: {  	[sflag:s29] =	ssyncset.done $0x0  }
0x6b: {  	s26 =	simm.s32 $0x0;
	[sflag:s29] =	ssyncadd.s32 $0xFFFFD800  }
0x6c: {  	[spmem:s3] =	stream.indirect.scatter.add.f32 [tilespmem:s19], [sflag:$0x6], $0x80, s26, s30, $0xb8;
	[tilespmem:$0x19648] =	vst v63  }
0x6d: {  	_ = 	snop  }
0x6e: {  	[spmem:s4] =	stream.indirect.scatter.add.f32 [tilespmem:s31], [sflag:$0x6], $0x1, s26, s30, $0xb8;
	[tilespmem:$0x19648] =	vst v63  }
0x6f: {  	_ =	swait.ge [sflag:s1], $0x2800  }
0x70: {  	[sflag:s1] =	ssyncset.done $0x0  }
0x71: {  	s17 =	simm.s32 $0x80;
	[sflag:s1] =	ssyncadd.s32 $0xFFFFD800  }
0x72: {  	[spmem:s3] =	stream.indirect.scatter.add.f32 [tilespmem:s20], [sflag:$0x7], $0x80, s17, s30, $0xb8;
	[tilespmem:$0x19648] =	vst v63  }
0x73: {  	_ = 	snop  }
0x74: {  	[spmem:s4] =	stream.indirect.scatter.add.f32 [tilespmem:s31], [sflag:$0x7], $0x1, s17, s30, $0xb8;
	[tilespmem:$0x19648] =	vst v63  }
0x75: {  	_ =	swait.ge [sflag:s2], $0x2800  }
0x76: {  	[sflag:s2] =	ssyncset.done $0x0  }
0x77: {  	s18 =	simm.s32 $0x100;
	[sflag:s2] =	ssyncadd.s32 $0xFFFFD800  }
0x78: {  	[spmem:s3] =	stream.indirect.scatter.add.f32 [tilespmem:s21], [sflag:$0x8], $0x80, s18, s30, $0xb8;
	[tilespmem:$0x19648] =	vst v63  }
0x79: {  	_ = 	snop  }
0x7a: {  	[spmem:s4] =	stream.indirect.scatter.add.f32 [tilespmem:s31], [sflag:$0x8], $0x1, s18, s30, $0xb8;
	[tilespmem:$0x19648] =	vst v63  }
0x7b: {  	_ =	swait.ge [sflag:s6], $0x2800  }
0x7c: {  	s16 =	simm.s32 $0x0;
	[sflag:s6] =	ssyncset.done $0x0  }
0x7d: {  	s24 =	smin.u32 s16, $0x77;
	[sflag:s6] =	ssyncadd.s32 $0xFFFFD800  }
0x7e: {  	s17 =	smul.u32 $0x50, s24;
	_ =	swait.ge [sflag:s6], $0x50  }
0x7f: {  	s26 =	rddreg [dreg:$0x5]  }
0x80: {  	s17 =	sadd.s32 s17, s26  }
0x81: {  	[sflag:s6] =	ssyncset.done $0x0;
	s17 =	sshll.u32 s17, $0x4  }
0x82: {  	[sflag:s6] =	ssyncadd.s32 $0xFFFFFFB0;
	s17 =	sadd.s32 s0, s17  }
0x83: {  	[tilespmem:s19], [sflag:$0x1] =	stream.linear.gather [hbm4b:s17+s5], $0x2800, $0x38;
	[tilespmem:$0x19648] =	vst v63  }
0x84: {  	_ =	swait.ge [sflag:s7], $0x2800  }
0x85: {  	[sflag:s7] =	ssyncset.done $0x0  }
0x86: {  	s18 =	simm.s32 $0x180;
	[sflag:s7] =	ssyncadd.s32 $0xFFFFD800  }
0x87: {  	[spmem:s3] =	stream.indirect.scatter.add.f32 [tilespmem:s22], [sflag:$0x9], $0x80, s18, s30, $0xb8;
	[tilespmem:$0x19648] =	vst v63  }
0x88: {  	_ = 	snop  }
0x89: {  	[spmem:s4] =	stream.indirect.scatter.add.f32 [tilespmem:s31], [sflag:$0x9], $0x1, s18, s30, $0xb8;
	[tilespmem:$0x19648] =	vst v63  }
0x8a: {  	_ =	swait.ge [sflag:s8], $0x2800  }
0x8b: {  	[sflag:s8] =	ssyncset.done $0x0  }
0x8c: {  	s24 =	smin.u32 s16, $0x76;
	[sflag:s8] =	ssyncadd.s32 $0xFFFFD800  }
0x8d: {  	s17 =	smul.u32 $0x50, s24;
	_ =	swait.ge [sflag:s8], $0x50  }
0x8e: {  	s26 =	rddreg [dreg:$0x6]  }
0x8f: {  	s17 =	sadd.s32 s17, s26  }
0x90: {  	[sflag:s8] =	ssyncset.done $0x0;
	s17 =	sshll.u32 s17, $0x4  }
0x91: {  	[sflag:s8] =	ssyncadd.s32 $0xFFFFFFB0;
	s17 =	sadd.s32 s0, s17  }
0x92: {  	[tilespmem:s20], [sflag:$0x2] =	stream.linear.gather [hbm4b:s17+s5], $0x2800, $0x38;
	[tilespmem:$0x19648] =	vst v63  }
0x93: {  	_ =	swait.ge [sflag:s9], $0x2800  }
0x94: {  	[sflag:s9] =	ssyncset.done $0x0  }
0x95: {  	s18 =	simm.s32 $0x200;
	[sflag:s9] =	ssyncadd.s32 $0xFFFFD800  }
0x96: {  	[spmem:s3] =	stream.indirect.scatter.add.f32 [tilespmem:s23], [sflag:$0xA], $0x80, s18, s30, $0xb8;
	[tilespmem:$0x19648] =	vst v63  }
0x97: {  	_ = 	snop  }
0x98: {  	[spmem:s4] =	stream.indirect.scatter.add.f32 [tilespmem:s31], [sflag:$0xA], $0x1, s18, s30, $0xb8;
	[tilespmem:$0x19648] =	vst v63  }
0x99: {  	_ =	swait.ge [sflag:s10], $0x2800  }
0x9a: {  	[sflag:s10] =	ssyncset.done $0x0  }
0x9b: {  	s24 =	smin.u32 s16, $0x75;
	[sflag:s10] =	ssyncadd.s32 $0xFFFFD800  }
0x9c: {  	s17 =	smul.u32 $0x50, s24;
	_ =	swait.ge [sflag:s10], $0x50  }
0x9d: {  	s26 =	rddreg [dreg:$0x7]  }
0x9e: {  	s17 =	sadd.s32 s17, s26  }
0x9f: {  	[sflag:s10] =	ssyncset.done $0x0;
	s17 =	sshll.u32 s17, $0x4  }
0xa0: {  	[sflag:s10] =	ssyncadd.s32 $0xFFFFFFB0;
	s17 =	sadd.s32 s0, s17  }
0xa1: {  	[tilespmem:s21], [sflag:$0x3] =	stream.linear.gather [hbm4b:s17+s5], $0x2800, $0x38;
	[tilespmem:$0x19648] =	vst v63  }
0xa2: {  	_ =	swait.ge [sflag:s11], $0x2800  }
0xa3: {  	[sflag:s11] =	ssyncset.done $0x0  }
0xa4: {  	s18 =	smin.u32 s16, $0x74;
	[sflag:s11] =	ssyncadd.s32 $0xFFFFD800  }
0xa5: {  	s17 =	smul.u32 $0x50, s18;
	_ =	swait.ge [sflag:s11], $0x50  }
0xa6: {  	s24 =	rddreg [dreg:$0x8]  }
0xa7: {  	s17 =	sadd.s32 s17, s24  }
0xa8: {  	[sflag:s11] =	ssyncset.done $0x0;
	s17 =	sshll.u32 s17, $0x4  }
0xa9: {  	[sflag:s11] =	ssyncadd.s32 $0xFFFFFFB0;
	s17 =	sadd.s32 s0, s17  }
0xaa: {  	[tilespmem:s22], [sflag:$0x4] =	stream.linear.gather [hbm4b:s17+s5], $0x2800, $0x38;
	[tilespmem:$0x19648] =	vst v63  }
0xab: {  	_ =	swait.ge [sflag:s13], $0x2800  }
0xac: {  	[sflag:s13] =	ssyncset.done $0x0  }
0xad: {  	s16 =	smin.u32 s16, $0x73;
	[sflag:s13] =	ssyncadd.s32 $0xFFFFD800  }
0xae: {  	s16 =	smul.u32 $0x50, s16;
	_ =	swait.ge [sflag:s13], $0x50  }
0xaf: {  	s26 =	rddreg [dreg:$0x9]  }
0xb0: {  	s17 =	sadd.s32 s16, s26  }
0xb1: {  	[sflag:s13] =	ssyncset.done $0x0;
	s16 =	simm.s32 $0xA00;
	s17 =	sshll.u32 s17, $0x4  }
0xb2: {  	[sflag:s13] =	ssyncadd.s32 $0xFFFFFFB0;
	s18 =	sadd.s32 s0, s17;
	s17 =	simm.s32 $0x5  }
.LBB2_4:
0xb3: {  	[tilespmem:s23], [sflag:$0x5] =	stream.linear.gather [hbm4b:s18+s5], $0x2800, $0x38;
	[tilespmem:$0x19648] =	vst v63  }
0xb4: {  	_ =	swait.ge [sflag:s29], $0x2800  }
0xb5: {  	s24 =	smov.u32 s16;
	[sflag:s29] =	ssyncset.done $0x0  }
0xb6: {  	s18 =	sshra.s32 s24, $0x2;
	[sflag:s29] =	ssyncadd.s32 $0xFFFFD800  }
0xb7: {  	[spmem:s3] =	stream.indirect.scatter.add.f32 [tilespmem:s19], [sflag:$0x6], $0x80, s18, s30, $0xb8;
	[tilespmem:$0x19648] =	vst v63  }
0xb8: {  	_ = 	snop  }
0xb9: {  	[spmem:s4] =	stream.indirect.scatter.add.f32 [tilespmem:s31], [sflag:$0x6], $0x1, s18, s30, $0xb8;
	[tilespmem:$0x19648] =	vst v63  }
0xba: {  	_ =	swait.ge [sflag:s1], $0x2800  }
0xbb: {  	[sflag:s1] =	ssyncset.done $0x0  }
0xbc: {  	s24 =	sadd.s32 $0x80, s18;
	[sflag:s1] =	ssyncadd.s32 $0xFFFFD800  }
0xbd: {  	[spmem:s3] =	stream.indirect.scatter.add.f32 [tilespmem:s20], [sflag:$0x7], $0x80, s24, s30, $0xb8;
	[tilespmem:$0x19648] =	vst v63  }
0xbe: {  	_ = 	snop  }
0xbf: {  	[spmem:s4] =	stream.indirect.scatter.add.f32 [tilespmem:s31], [sflag:$0x7], $0x1, s24, s30, $0xb8;
	[tilespmem:$0x19648] =	vst v63  }
0xc0: {  	_ =	swait.ge [sflag:s2], $0x2800  }
0xc1: {  	[sflag:s2] =	ssyncset.done $0x0  }
0xc2: {  	s26 =	sadd.s32 $0x100, s18;
	[sflag:s2] =	ssyncadd.s32 $0xFFFFD800  }
0xc3: {  	[spmem:s3] =	stream.indirect.scatter.add.f32 [tilespmem:s21], [sflag:$0x8], $0x80, s26, s30, $0xb8;
	[tilespmem:$0x19648] =	vst v63  }
0xc4: {  	_ = 	snop  }
0xc5: {  	[spmem:s4] =	stream.indirect.scatter.add.f32 [tilespmem:s31], [sflag:$0x8], $0x1, s26, s30, $0xb8;
	[tilespmem:$0x19648] =	vst v63  }
0xc6: {  	_ =	swait.ge [sflag:s6], $0x2800  }
0xc7: {  	[sflag:s6] =	ssyncset.done $0x0  }
0xc8: {  	s24 =	smin.u32 s17, $0x77;
	[sflag:s6] =	ssyncadd.s32 $0xFFFFD800  }
0xc9: {  	s24 =	smul.u32 $0x50, s24;
	_ =	swait.ge [sflag:s6], $0x50  }
0xca: {  	s26 =	rddreg [dreg:$0x5]  }
0xcb: {  	s24 =	sadd.s32 s24, s26  }
0xcc: {  	[sflag:s6] =	ssyncset.done $0x0;
	s24 =	sshll.u32 s24, $0x4  }
0xcd: {  	[sflag:s6] =	ssyncadd.s32 $0xFFFFFFB0;
	s24 =	sadd.s32 s0, s24  }
0xce: {  	[tilespmem:s19], [sflag:$0x1] =	stream.linear.gather [hbm4b:s24+s5], $0x2800, $0x38;
	[tilespmem:$0x19648] =	vst v63  }
0xcf: {  	_ =	swait.ge [sflag:s7], $0x2800  }
0xd0: {  	[sflag:s7] =	ssyncset.done $0x0  }
0xd1: {  	s26 =	sadd.s32 $0x180, s18;
	[sflag:s7] =	ssyncadd.s32 $0xFFFFD800  }
0xd2: {  	[spmem:s3] =	stream.indirect.scatter.add.f32 [tilespmem:s22], [sflag:$0x9], $0x80, s26, s30, $0xb8;
	[tilespmem:$0x19648] =	vst v63  }
0xd3: {  	_ = 	snop  }
0xd4: {  	[spmem:s4] =	stream.indirect.scatter.add.f32 [tilespmem:s31], [sflag:$0x9], $0x1, s26, s30, $0xb8;
	[tilespmem:$0x19648] =	vst v63  }
0xd5: {  	_ =	swait.ge [sflag:s8], $0x2800  }
0xd6: {  	[sflag:s8] =	ssyncset.done $0x0  }
0xd7: {  	s24 =	smin.u32 s17, $0x76;
	[sflag:s8] =	ssyncadd.s32 $0xFFFFD800  }
0xd8: {  	s24 =	smul.u32 $0x50, s24;
	_ =	swait.ge [sflag:s8], $0x50  }
0xd9: {  	s26 =	rddreg [dreg:$0x6]  }
0xda: {  	s24 =	sadd.s32 s24, s26  }
0xdb: {  	[sflag:s8] =	ssyncset.done $0x0;
	s24 =	sshll.u32 s24, $0x4  }
0xdc: {  	[sflag:s8] =	ssyncadd.s32 $0xFFFFFFB0;
	s24 =	sadd.s32 s0, s24  }
0xdd: {  	[tilespmem:s20], [sflag:$0x2] =	stream.linear.gather [hbm4b:s24+s5], $0x2800, $0x38;
	[tilespmem:$0x19648] =	vst v63  }
0xde: {  	_ =	swait.ge [sflag:s9], $0x2800  }
0xdf: {  	[sflag:s9] =	ssyncset.done $0x0  }
0xe0: {  	s18 =	sadd.s32 $0x200, s18;
	[sflag:s9] =	ssyncadd.s32 $0xFFFFD800  }
0xe1: {  	[spmem:s3] =	stream.indirect.scatter.add.f32 [tilespmem:s23], [sflag:$0xA], $0x80, s18, s30, $0xb8;
	[tilespmem:$0x19648] =	vst v63  }
0xe2: {  	_ = 	snop  }
0xe3: {  	[spmem:s4] =	stream.indirect.scatter.add.f32 [tilespmem:s31], [sflag:$0xA], $0x1, s18, s30, $0xb8;
	[tilespmem:$0x19648] =	vst v63  }
0xe4: {  	_ =	swait.ge [sflag:s10], $0x2800  }
0xe5: {  	[sflag:s10] =	ssyncset.done $0x0  }
0xe6: {  	s24 =	smin.u32 s17, $0x75;
	[sflag:s10] =	ssyncadd.s32 $0xFFFFD800  }
0xe7: {  	s18 =	smul.u32 $0x50, s24;
	_ =	swait.ge [sflag:s10], $0x50  }
0xe8: {  	s26 =	rddreg [dreg:$0x7]  }
0xe9: {  	s18 =	sadd.s32 s18, s26  }
0xea: {  	[sflag:s10] =	ssyncset.done $0x0;
	s18 =	sshll.u32 s18, $0x4  }
0xeb: {  	[sflag:s10] =	ssyncadd.s32 $0xFFFFFFB0;
	s18 =	sadd.s32 s0, s18  }
0xec: {  	[tilespmem:s21], [sflag:$0x3] =	stream.linear.gather [hbm4b:s18+s5], $0x2800, $0x38;
	[tilespmem:$0x19648] =	vst v63  }
0xed: {  	_ =	swait.ge [sflag:s11], $0x2800  }
0xee: {  	[sflag:s11] =	ssyncset.done $0x0  }
0xef: {  	s24 =	smin.u32 s17, $0x74;
	[sflag:s11] =	ssyncadd.s32 $0xFFFFD800  }
0xf0: {  	s18 =	smul.u32 $0x50, s24;
	_ =	swait.ge [sflag:s11], $0x50  }
0xf1: {  	s26 =	rddreg [dreg:$0x8]  }
0xf2: {  	s18 =	sadd.s32 s18, s26  }
0xf3: {  	[sflag:s11] =	ssyncset.done $0x0;
	s18 =	sshll.u32 s18, $0x4  }
0xf4: {  	[sflag:s11] =	ssyncadd.s32 $0xFFFFFFB0;
	s18 =	sadd.s32 s0, s18  }
0xf5: {  	[tilespmem:s22], [sflag:$0x4] =	stream.linear.gather [hbm4b:s18+s5], $0x2800, $0x38;
	[tilespmem:$0x19648] =	vst v63  }
0xf6: {  	_ =	swait.ge [sflag:s13], $0x2800  }
0xf7: {  	s24 =	smin.u32 s17, $0x73;
	[sflag:s13] =	ssyncset.done $0x0  }
0xf8: {  	p0 =	sne.s32 s16, $0xF000;
	s18 =	smul.u32 $0x50, s24;
	[sflag:s13] =	ssyncadd.s32 $0xFFFFD800  }
.Ltmp1:
0xf9: {  	_ =	swait.ge [sflag:s13], $0x50;
	(pc) =	sbr.rel @p0 .LBB2_4-.Ltmp1, $4  }
0xfa: {  	s26 =	rddreg [dreg:$0x9]  }
0xfb: {  	s18 =	sadd.s32 s18, s26  }
0xfc: {  	s16 =	sadd.s32 $0xA00, s16;
	[sflag:s13] =	ssyncset.done $0x0;
	s18 =	sshll.u32 s18, $0x4  }
0xfd: {  	s17 =	sadd.s32 $0x5, s17;
	[sflag:s13] =	ssyncadd.s32 $0xFFFFFFB0;
	s18 =	sadd.s32 s0, s18  }
0xfe: {  	[tilespmem:s23], [sflag:$0x5] =	stream.linear.gather [hbm4b:s18+s5], $0x2800, $0x38;
	[tilespmem:$0x19648] =	vst v63  }
0xff: {  	_ =	swait.ge [sflag:s29], $0x2800  }
0x100: {  	[sflag:s29] =	ssyncset.done $0x0  }
0x101: {  	[sflag:s29] =	ssyncadd.s32 $0xFFFFD800  }
0x102: {  	_ =	swait.ge [sflag:s1], $0x2800  }
0x103: {  	[sflag:s1] =	ssyncset.done $0x0  }
0x104: {  	[sflag:s1] =	ssyncadd.s32 $0xFFFFD800  }
0x105: {  	_ =	swait.ge [sflag:s2], $0x2800  }
0x106: {  	[sflag:s2] =	ssyncset.done $0x0  }
0x107: {  	[sflag:s2] =	ssyncadd.s32 $0xFFFFD800  }
0x108: {  	_ =	swait.ge [sflag:s7], $0x2800  }
0x109: {  	[sflag:s7] =	ssyncset.done $0x0  }
0x10a: {  	[sflag:s7] =	ssyncadd.s32 $0xFFFFD800  }
0x10b: {  	_ =	swait.ge [sflag:s9], $0x2800  }
0x10c: {  	[sflag:s9] =	ssyncset.done $0x0  }
0x10d: {  	s16 =	stileid.u32;
	[sflag:s9] =	ssyncadd.s32 $0xFFFFD800  }
0x10e: {  	s16 =	sshll.u32 s16, $0x6;
	[bflag:$0x0] =	sbarrier.arrive $0xFFFF  }
0x10f: {  	s17 =	sshrl.u32 s12, $0x3;
	s16 =	sor.u32 $0x1C0C, s16;
	s26 =	rddreg [dreg:$0x12]  }
0x110: {  	[hbm:s26], [sflag:s16] =	dma.local [spmem:s17], $0xC80  }
0x111: {  	_ =	swait.ge [sflag:s25], $0xC80  }
0x112: {  	[sflag:s25] =	ssyncset.done $0x0  }
0x113: {  	s18 =	simm.s32 $0x13080;
	[sflag:s25] =	ssyncadd.s32 $0xFFFFF380  }
0x114: {  	[tilespmem:s18], [sflag:$0xC] =	stream.linear.gather [spmem:s15], $0xC8, $0x38;
	[tilespmem:$0x19648] =	vst v63  }
0x115: {  	_ =	swait.ge [sflag:s25], $0xC8  }
0x116: {  	[sflag:s25] =	ssyncset.done $0x0  }
0x117: {  	s24 =	rddreg [dreg:$0x13];
	[sflag:s25] =	ssyncadd.s32 $0xFFFFFF38  }
0x118: {  	[hbm4b:s24+s5] =	stream.linear.scatter [tilespmem:s18], [sflag:$0xC], $0xC8, $0x38;
	[tilespmem:$0x19648] =	vst v63  }
0x119: {  	_ =	swait.ge [sflag:s25], $0xC8  }
0x11a: {  	s14 =	sadd.s32 $0x1, s14;
	s26 =	rddreg [dreg:$0x14]  }
0x11b: {  	p0 =	sne.s32 s14, s26  }
.Ltmp2:
0x11c: {  	_ = 	snop;
	(pc) =	sbr.rel @p0 .LBB2_1-.Ltmp2, $3  }
0x11d: {  	_ =	sdelay $0x1  }
0x11e: {  	[sflag:s25] =	ssyncset.done $0x0  }
0x11f: {  	[sflag:s25] =	ssyncadd.s32 $0xFFFFFF38  }
0x120: {  	_ =	sfence.sel $0x180000  }
0x121: {  	[bflag:$0x0] =	sbarrier.arrive $0xFFFF  }
0x122: {  	_ =	strace $0x90000047  }
0x123: {  	s0 =	stileid.u32;
	[bflag:$0x2] =	sbarrier.arrive $0xFFFF  }
0x124: {  	p0 =	sne.s32 s0, $0x0;
	s0 =	rddreg [dreg:$0x4]  }
0x125: {  	s0 =	sadd.s32 @!p0 $0x100000, s0  }
0x126: {  	[sflag:s0] =	ssyncadd.tile.s32 @!p0 $0x1;
	_ =	shalt  }
.Lfunc_end2:
_tile_overlayer_lowered:
.L_overlay_start_2:
0x127: {  	(tag) =	ssettag $0x2  }
0x128: {  	s0 =	rddreg [dreg:$0x0];
	s2 =	stileid.u32  }
0x129: {  	s1 =	rddreg [dreg:$0x1];
	p0 =	sne.s32 s2, $0x0  }
0x12a: {  	s3 =	rddreg [dreg:$0x2];
	[bflag:$0x3] =	sbarrier.arrive $0xFFFF;
	s2 =	simm.s32 @!p0 $0x1C0C  }
0x12b: {  	[timem:s3], [sflag:s2] =	dma.local @!p0 [hbm:s0], s1  }
0x12c: {  	s0 =	simm.s32 @!p0 $0xC  }
0x12d: {  	_ =	swait.ge @!p0 [sflag:s0], s1  }
0x12e: {  	s1 =	ssub.s32 @!p0 $0x0, s1;
	[sflag:s0] =	ssyncset.done @!p0 $0x0  }
0x12f: {  	[sflag:s0] =	ssyncadd.s32 @!p0 s1  }
0x130: {  	[bflag:$0x3] =	sbarrier.arrive $0xFFFF  }
0x131: {  	_ =	shalt  }

</sc_bundles>
